<compile_context>
chip_gen: v7x
topology: tpu7x:2x2x1
jax: 0.10.2.dev20260603
libtpu: 0.0.44.dev20260713+nightly
codegen_flags: <defaults>
</compile_context>

<pallas_src>
import functools

import jax
import jax.numpy as jnp
from jax import lax
from jax.experimental import pallas as pl
from jax.experimental.pallas import tpu as pltpu
from jax.experimental.pallas import tpu_sc as plsc

_NUM_CORES = 2
_NUM_SUBCORES = 16
_NUM_WORKERS = _NUM_CORES * _NUM_SUBCORES

_H = 2
_C = 16
_R = 512


def _gather_body(B, S, W, j, ids_hbm, tok_hbm, out_hbm, idx_all,
                 tok_a, tok_b, tok_c, tok_d,
                 sem_g_a, sem_g_b, sem_g_c, sem_g_d,
                 sem_o_a, sem_o_b, sem_o_c, sem_o_d):
  rpw = B * W // _NUM_WORKERS
  nchunks = rpw // _C
  wpb = W // rpw
  wid = lax.axis_index("s") * _NUM_CORES + lax.axis_index("c")
  base = wid * rpw
  b_idx = wid // wpb
  src = b_idx * S + j * W + (wid % wpb) * rpw
  pltpu.sync_copy(ids_hbm.at[pl.ds(src, rpw)], idx_all)

  toks = [tok_a, tok_b, tok_c, tok_d]
  sem_gs = [sem_g_a, sem_g_b, sem_g_c, sem_g_d]
  sem_os = [sem_o_a, sem_o_b, sem_o_c, sem_o_d]
  nbuf = len(toks)

  def start_gather(k):
    return pltpu.async_copy(
        tok_hbm.at[idx_all.at[pl.ds(k * _C, _C)]], toks[k % nbuf],
        sem_gs[k % nbuf])

  gcp = [None] * nchunks
  ocp = [None] * nchunks
  for k in range(min(nbuf - 1, nchunks)):
    gcp[k] = start_gather(k)
  for k in range(nchunks):
    if k + nbuf - 1 < nchunks:
      if k >= 1:
        ocp[k - 1].wait()
      gcp[k + nbuf - 1] = start_gather(k + nbuf - 1)
    gcp[k].wait()
    ocp[k] = pltpu.async_copy(
        toks[k % nbuf], out_hbm.at[pl.ds(base + k * _C, _C)],
        sem_os[k % nbuf])
  for k in range(max(nchunks - nbuf, 0), nchunks):
    ocp[k].wait()


def _sc_gather(j, ids_flat, token_table, B, S):
  W = S // _H
  D = token_table.shape[1]
  mesh = plsc.VectorSubcoreMesh(core_axis_name="c", subcore_axis_name="s")
  return pl.kernel(
      functools.partial(_gather_body, B, S, W, j),
      out_type=jax.ShapeDtypeStruct((B * W, D), jnp.float32),
      mesh=mesh,
      scratch_types=[
          pltpu.VMEM((B * W // _NUM_WORKERS,), jnp.int32),
          pltpu.VMEM((_C, D), jnp.float32),
          pltpu.VMEM((_C, D), jnp.float32),
          pltpu.VMEM((_C, D), jnp.float32),
          pltpu.VMEM((_C, D), jnp.float32),
          pltpu.SemaphoreType.DMA,
          pltpu.SemaphoreType.DMA,
          pltpu.SemaphoreType.DMA,
          pltpu.SemaphoreType.DMA,
          pltpu.SemaphoreType.DMA,
          pltpu.SemaphoreType.DMA,
          pltpu.SemaphoreType.DMA,
          pltpu.SemaphoreType.DMA,
      ],
  )(ids_flat, token_table)


def _add_body(tids_ref, *refs):
  g_ref, pos_ref, tt_ref, out_ref = refs[-4:]
  b = pl.program_id(1)
  tid = tids_ref[b]
  trow = tt_ref[pl.ds(tid, 1), :]
  out_ref[...] = g_ref[...] + pos_ref[...] + trow


def _tc_add(j, acc, g_j, pos_table, task_table, task_ids, B, S, D):
  W = S // _H
  hpb = W // _R
  acc_spec = [] if acc is None else [pl.BlockSpec(memory_space=pl.ANY)]
  acc_arg = () if acc is None else (acc,)
  grid_spec = pltpu.PrefetchScalarGridSpec(
      num_scalar_prefetch=1,
      grid=(hpb, B),
      in_specs=acc_spec + [
          pl.BlockSpec((_R, D), lambda h, b, t: (b * hpb + h, 0)),
          pl.BlockSpec((_R, D), lambda h, b, t: (j * hpb + h, 0)),
          pl.BlockSpec((task_table.shape[0], D), lambda h, b, t: (0, 0)),
      ],
      out_specs=pl.BlockSpec(
          (_R, D),
          lambda h, b, t: (b * (S // _R) + j * hpb + h, 0)),
  )
  return pl.pallas_call(
      _add_body,
      grid_spec=grid_spec,
      out_shape=jax.ShapeDtypeStruct((B * S, D), jnp.float32),
      input_output_aliases={1: 0} if acc is not None else {},
  )(task_ids, *acc_arg, g_j, pos_table, task_table)


@jax.jit
def kernel(input_ids, task_ids, token_table, pos_table, task_table):
  B, S = input_ids.shape
  V, D = token_table.shape

  ids = jnp.asarray(input_ids, jnp.int32).reshape(B * S)
  tids = jnp.asarray(task_ids, jnp.int32)

  gs = [_sc_gather(j, ids, token_table, B, S) for j in range(_H)]

  acc = None
  for j in range(_H):
    acc = _tc_add(j, acc, gs[j], pos_table, task_table, tids, B, S, D)
  return acc.reshape(B, S, D)

# --- scband reference (transcript-rebuilt; emitter-appended) ---
"""Pipeline reference for scband-embeddings-27255862460883 (READ-ONLY COPY).

The authoritative reference and input builder live on the scoring server;
editing this copy changes nothing except your own understanding.
"""

import jax, jax.numpy as jnp
import numpy as np

VOCAB = 100000
MAX_LEN = 2048
D_MODEL = 1024
NUM_TASKS = 16
B = 4
S = 2048

def setup_inputs(seed: int = 0) -> dict:
    key = jax.random.key(seed)
    k1, k2, k3, k4, k5 = jax.random.split(key, 5)
    input_ids = jax.random.randint(k1, (B, S), 0, VOCAB, dtype=jnp.int64 if jax.config.jax_enable_x64 else jnp.int32)
    task_ids = jax.random.randint(k2, (B,), 0, NUM_TASKS, dtype=jnp.int64 if jax.config.jax_enable_x64 else jnp.int32)
    token_table = jax.random.normal(k3, (VOCAB, D_MODEL), dtype=jnp.float32)
    pos_table = jax.random.normal(k4, (MAX_LEN, D_MODEL), dtype=jnp.float32)
    task_table = jax.random.normal(k5, (NUM_TASKS, D_MODEL), dtype=jnp.float32)
    return {"input_ids": input_ids, "task_ids": task_ids, "token_table": token_table, "pos_table": pos_table, "task_table": task_table}

def reference(input_ids, task_ids, token_table, pos_table, task_table):
    batch_size, seq_len = input_ids.shape
    # token embeddings: gather from token table
    token_embeds = jnp.take(token_table, input_ids, axis=0)  # [B, S, D]
    # positional embeddings: positions 0..seq_len-1 broadcast over batch
    positions = jnp.arange(0, seq_len)
    pos_embeds = jnp.take(pos_table, positions, axis=0)  # [S, D]
    pos_embeds = jnp.broadcast_to(pos_embeds[None, :, :], (batch_size, seq_len, pos_embeds.shape[-1]))
    # task embeddings: gather then expand over sequence dim
    task_embeds = jnp.take(task_table, task_ids, axis=0)  # [B, D]
    task_embeds = jnp.broadcast_to(task_embeds[:, None, :], (batch_size, seq_len, task_embeds.shape[-1]))
    embeddings = token_embeds + pos_embeds + task_embeds
    return embeddings

if __name__ == "__main__":
    import jax
    _d = setup_inputs()
    print(jax.jit(kernel)(*tuple(_d.values())))

</pallas_src>

<mosaic_0001>
#map = affine_map<(d0, d1) -> (0)>
#map1 = affine_map<(d0, d1) -> (0, 0)>
module attributes {stable_mosaic.version = 14 : i64} {
  func.func @_gather_body(%arg0: i32, %arg1: i32, %arg2: memref<8192xi32, #tpu.memory_space<hbm>>, %arg3: memref<100000x1024xf32, #tpu.memory_space<hbm>>, %arg4: memref<4096x1024xf32, #tpu.memory_space<hbm>>, %arg5: memref<128xi32, #tpu.memory_space<vmem>>, %arg6: memref<16x1024xf32, #tpu.memory_space<vmem>>, %arg7: memref<16x1024xf32, #tpu.memory_space<vmem>>, %arg8: memref<16x1024xf32, #tpu.memory_space<vmem>>, %arg9: memref<16x1024xf32, #tpu.memory_space<vmem>>, %arg10: memref<!tpu.dma_semaphore, #tpu.memory_space<semaphore_mem>>, %arg11: memref<!tpu.dma_semaphore, #tpu.memory_space<semaphore_mem>>, %arg12: memref<!tpu.dma_semaphore, #tpu.memory_space<semaphore_mem>>, %arg13: memref<!tpu.dma_semaphore, #tpu.memory_space<semaphore_mem>>, %arg14: memref<!tpu.dma_semaphore, #tpu.memory_space<semaphore_mem>>, %arg15: memref<!tpu.dma_semaphore, #tpu.memory_space<semaphore_mem>>, %arg16: memref<!tpu.dma_semaphore, #tpu.memory_space<semaphore_mem>>, %arg17: memref<!tpu.dma_semaphore, #tpu.memory_space<semaphore_mem>>) attributes {dimension_semantics = [#tpu.dimension_semantics<core_parallel>, #tpu.dimension_semantics<subcore_parallel>], iteration_bounds = array<i64: 2, 16>, scalar_prefetch = 0 : i64, scratch_operands = 13 : i64, tpu.core_type = #tpu.core_type<sc_vector_subcore>, window_params = [{transform_indices = #map}, {transform_indices = #map1}, {transform_indices = #map1}]} {
    %mul3A = arith.constant 2 : i32
    %mul3A_0 = arith.muli %arg1, %mul3A : i32
    %add3A = arith.addi %mul3A_0, %arg0 : i32
    %mul3A_1 = arith.constant 128 : i32
    %mul3A_2 = arith.muli %add3A, %mul3A_1 : i32
    %jit3A = arith.constant 8 : i32
    %div3A = arith.divsi %add3A, %jit3A : i32
    %sign3A = arith.constant 0 : i32
    %sign3A_3 = arith.cmpi sgt, %add3A, %sign3A : i32
    %sign3A_4 = arith.extui %sign3A_3 : i1 to i32
    %sign3A_5 = arith.constant 0 : i32
    %sign3A_6 = arith.cmpi slt, %add3A, %sign3A_5 : i32
    %sign3A_7 = arith.extui %sign3A_6 : i1 to i32
    %sign3A_8 = arith.subi %sign3A_4, %sign3A_7 : i32
    %sign3A_9 = arith.constant 0 : i32
    %sign3A_10 = arith.cmpi sgt, %jit3A, %sign3A_9 : i32
    %sign3A_11 = arith.extui %sign3A_10 : i1 to i32
    %sign3A_12 = arith.constant 0 : i32
    %sign3A_13 = arith.cmpi slt, %jit3A, %sign3A_12 : i32
    %sign3A_14 = arith.extui %sign3A_13 : i1 to i32
    %sign3A_15 = arith.subi %sign3A_11, %sign3A_14 : i32
    %ne3A = arith.cmpi ne, %sign3A_8, %sign3A_15 : i32
    %rem3A = arith.remsi %add3A, %jit3A : i32
    %ne3A_16 = arith.constant 0 : i32
    %ne3A_17 = arith.cmpi ne, %rem3A, %ne3A_16 : i32
    %and3A = arith.andi %ne3A, %ne3A_17 : i1
    %sub3A = arith.constant 1 : i32
    %sub3A_18 = arith.subi %div3A, %sub3A : i32
    %select_n3A = arith.select %and3A, %sub3A_18, %div3A : i32
    %mul3A_19 = arith.constant 2048 : i32
    %mul3A_20 = arith.muli %select_n3A, %mul3A_19 : i32
    %add3A_21 = arith.constant 0 : i32
    %add3A_22 = arith.addi %mul3A_20, %add3A_21 : i32
    %jit3A_23 = arith.constant 8 : i32
    %eq3A = arith.constant 0 : i32
    %eq3A_24 = arith.cmpi eq, %jit3A_23, %eq3A : i32
    %jit3A_25 = arith.constant 1 : i32
    %select_n3A_26 = arith.select %eq3A_24, %jit3A_25, %jit3A_23 : i32
    %rem3A_27 = arith.remsi %add3A, %select_n3A_26 : i32
    %ne3A_28 = arith.constant 0 : i32
    %ne3A_29 = arith.cmpi ne, %rem3A_27, %ne3A_28 : i32
    %lt3A = arith.constant 0 : i32
    %lt3A_30 = arith.cmpi slt, %rem3A_27, %lt3A : i32
    %lt3A_31 = arith.constant 0 : i32
    %lt3A_32 = arith.cmpi slt, %select_n3A_26, %lt3A_31 : i32
    %ne3A_33 = arith.xori %lt3A_30, %lt3A_32 : i1
    %and3A_34 = arith.andi %ne3A_33, %ne3A_29 : i1
    %add3A_35 = arith.addi %rem3A_27, %select_n3A_26 : i32
    %select_n3A_36 = arith.select %and3A_34, %add3A_35, %rem3A_27 : i32
    %mul3A_37 = arith.constant 128 : i32
    %mul3A_38 = arith.muli %select_n3A_36, %mul3A_37 : i32
    %add3A_39 = arith.addi %add3A_22, %mul3A_38 : i32
    "tpu.region"() ({
      %run_scoped3A = tpu.sem_alloc : memref<!tpu.dma_semaphore, #tpu.memory_space<semaphore_mem>>
      %dma_start3A_198 = tpu.memref_slice %arg2[%add3A_39] : memref<8192xi32, #tpu.memory_space<hbm>> -> memref<128xi32, #tpu.memory_space<hbm>>
      %dma_start3A_199 = tpu.memref_slice %arg2[%add3A_39] : memref<8192xi32, #tpu.memory_space<hbm>> -> memref<128xi32, #tpu.memory_space<hbm>>
      tpu.enqueue_dma source(%dma_start3A_199 : memref<128xi32, #tpu.memory_space<hbm>>) target(%arg5 : memref<128xi32, #tpu.memory_space<vmem>>) target_semaphore(%run_scoped3A : memref<!tpu.dma_semaphore, #tpu.memory_space<semaphore_mem>>)
      %dma_wait3A_200 = tpu.memref_slice %arg2[%add3A_39] : memref<8192xi32, #tpu.memory_space<hbm>> -> memref<128xi32, #tpu.memory_space<hbm>>
      %dma_wait3A_201 = tpu.memref_slice %arg2[%add3A_39] : memref<8192xi32, #tpu.memory_space<hbm>> -> memref<128xi32, #tpu.memory_space<hbm>>
      tpu.wait_dma2 semaphore(%run_scoped3A : memref<!tpu.dma_semaphore, #tpu.memory_space<semaphore_mem>>) src(%dma_wait3A_201 : memref<128xi32, #tpu.memory_space<hbm>>) dst(%arg5 : memref<128xi32, #tpu.memory_space<vmem>>)
      tpu.yield
    }) : () -> ()
    %dma_start3A = arith.constant 0 : i32
    %dma_start3A_40 = tpu.memref_slice %arg5[%dma_start3A] : memref<128xi32, #tpu.memory_space<vmem>> -> memref<16xi32, #tpu.memory_space<vmem>>
    %dma_start3A_41 = arith.constant 0 : i32
    %dma_start3A_42 = arith.constant 0 : i32
    %dma_start3A_43 = tpu.memref_slice %arg3[%dma_start3A_41, %dma_start3A_42] : memref<100000x1024xf32, #tpu.memory_space<hbm>> -> memref<100000x1024xf32, #tpu.memory_space<hbm>>
    tpu.enqueue_indirect_dma source(%dma_start3A_43 : memref<100000x1024xf32, #tpu.memory_space<hbm>>) target(%arg6 : memref<16x1024xf32, #tpu.memory_space<vmem>>) offsets(%dma_start3A_40 : memref<16xi32, #tpu.memory_space<vmem>>) semaphore(%arg10 : memref<!tpu.dma_semaphore, #tpu.memory_space<semaphore_mem>>)
    %dma_start3A_44 = arith.constant 16 : i32
    %dma_start3A_45 = tpu.memref_slice %arg5[%dma_start3A_44] : memref<128xi32, #tpu.memory_space<vmem>> -> memref<16xi32, #tpu.memory_space<vmem>>
    %dma_start3A_46 = arith.constant 0 : i32
    %dma_start3A_47 = arith.constant 0 : i32
    %dma_start3A_48 = tpu.memref_slice %arg3[%dma_start3A_46, %dma_start3A_47] : memref<100000x1024xf32, #tpu.memory_space<hbm>> -> memref<100000x1024xf32, #tpu.memory_space<hbm>>
    tpu.enqueue_indirect_dma source(%dma_start3A_48 : memref<100000x1024xf32, #tpu.memory_space<hbm>>) target(%arg7 : memref<16x1024xf32, #tpu.memory_space<vmem>>) offsets(%dma_start3A_45 : memref<16xi32, #tpu.memory_space<vmem>>) semaphore(%arg11 : memref<!tpu.dma_semaphore, #tpu.memory_space<semaphore_mem>>)
    %dma_start3A_49 = arith.constant 32 : i32
    %dma_start3A_50 = tpu.memref_slice %arg5[%dma_start3A_49] : memref<128xi32, #tpu.memory_space<vmem>> -> memref<16xi32, #tpu.memory_space<vmem>>
    %dma_start3A_51 = arith.constant 0 : i32
    %dma_start3A_52 = arith.constant 0 : i32
    %dma_start3A_53 = tpu.memref_slice %arg3[%dma_start3A_51, %dma_start3A_52] : memref<100000x1024xf32, #tpu.memory_space<hbm>> -> memref<100000x1024xf32, #tpu.memory_space<hbm>>
    tpu.enqueue_indirect_dma source(%dma_start3A_53 : memref<100000x1024xf32, #tpu.memory_space<hbm>>) target(%arg8 : memref<16x1024xf32, #tpu.memory_space<vmem>>) offsets(%dma_start3A_50 : memref<16xi32, #tpu.memory_space<vmem>>) semaphore(%arg12 : memref<!tpu.dma_semaphore, #tpu.memory_space<semaphore_mem>>)
    %dma_start3A_54 = arith.constant 48 : i32
    %dma_start3A_55 = tpu.memref_slice %arg5[%dma_start3A_54] : memref<128xi32, #tpu.memory_space<vmem>> -> memref<16xi32, #tpu.memory_space<vmem>>
    %dma_start3A_56 = arith.constant 0 : i32
    %dma_start3A_57 = arith.constant 0 : i32
    %dma_start3A_58 = tpu.memref_slice %arg3[%dma_start3A_56, %dma_start3A_57] : memref<100000x1024xf32, #tpu.memory_space<hbm>> -> memref<100000x1024xf32, #tpu.memory_space<hbm>>
    tpu.enqueue_indirect_dma source(%dma_start3A_58 : memref<100000x1024xf32, #tpu.memory_space<hbm>>) target(%arg9 : memref<16x1024xf32, #tpu.memory_space<vmem>>) offsets(%dma_start3A_55 : memref<16xi32, #tpu.memory_space<vmem>>) semaphore(%arg13 : memref<!tpu.dma_semaphore, #tpu.memory_space<semaphore_mem>>)
    %dma_wait3A = arith.constant 0 : i32
    %dma_wait3A_59 = tpu.memref_slice %arg5[%dma_wait3A] : memref<128xi32, #tpu.memory_space<vmem>> -> memref<16xi32, #tpu.memory_space<vmem>>
    %dma_wait3A_60 = arith.constant 0 : i32
    %dma_wait3A_61 = arith.constant 0 : i32
    %dma_wait3A_62 = tpu.memref_slice %arg3[%dma_wait3A_60, %dma_wait3A_61] : memref<100000x1024xf32, #tpu.memory_space<hbm>> -> memref<100000x1024xf32, #tpu.memory_space<hbm>>
    tpu.wait_indirect_dma semaphore(%arg10 : memref<!tpu.dma_semaphore, #tpu.memory_space<semaphore_mem>>) src(%dma_wait3A_62 : memref<100000x1024xf32, #tpu.memory_space<hbm>>) dst(%arg6 : memref<16x1024xf32, #tpu.memory_space<vmem>>)
    %add3A_63 = arith.constant 0 : i32
    %add3A_64 = arith.addi %mul3A_2, %add3A_63 : i32
    %dma_start3A_65 = arith.constant 0 : i32
    %dma_start3A_66 = tpu.memref_slice %arg4[%add3A_64, %dma_start3A_65] : memref<4096x1024xf32, #tpu.memory_space<hbm>> -> memref<16x1024xf32, #tpu.memory_space<hbm>>
    %dma_start3A_67 = arith.constant 0 : i32
    %dma_start3A_68 = tpu.memref_slice %arg4[%add3A_64, %dma_start3A_67] : memref<4096x1024xf32, #tpu.memory_space<hbm>> -> memref<16x1024xf32, #tpu.memory_space<hbm>>
    tpu.enqueue_dma source(%arg6 : memref<16x1024xf32, #tpu.memory_space<vmem>>) target(%dma_start3A_68 : memref<16x1024xf32, #tpu.memory_space<hbm>>) target_semaphore(%arg14 : memref<!tpu.dma_semaphore, #tpu.memory_space<semaphore_mem>>)
    %dma_wait3A_69 = arith.constant 0 : i32
    %dma_wait3A_70 = tpu.memref_slice %arg4[%add3A_64, %dma_wait3A_69] : memref<4096x1024xf32, #tpu.memory_space<hbm>> -> memref<16x1024xf32, #tpu.memory_space<hbm>>
    %dma_wait3A_71 = arith.constant 0 : i32
    %dma_wait3A_72 = tpu.memref_slice %arg4[%add3A_64, %dma_wait3A_71] : memref<4096x1024xf32, #tpu.memory_space<hbm>> -> memref<16x1024xf32, #tpu.memory_space<hbm>>
    tpu.wait_dma2 semaphore(%arg14 : memref<!tpu.dma_semaphore, #tpu.memory_space<semaphore_mem>>) src(%arg6 : memref<16x1024xf32, #tpu.memory_space<vmem>>) dst(%dma_wait3A_72 : memref<16x1024xf32, #tpu.memory_space<hbm>>)
    %dma_start3A_73 = arith.constant 64 : i32
    %dma_start3A_74 = tpu.memref_slice %arg5[%dma_start3A_73] : memref<128xi32, #tpu.memory_space<vmem>> -> memref<16xi32, #tpu.memory_space<vmem>>
    %dma_start3A_75 = arith.constant 0 : i32
    %dma_start3A_76 = arith.constant 0 : i32
    %dma_start3A_77 = tpu.memref_slice %arg3[%dma_start3A_75, %dma_start3A_76] : memref<100000x1024xf32, #tpu.memory_space<hbm>> -> memref<100000x1024xf32, #tpu.memory_space<hbm>>
    tpu.enqueue_indirect_dma source(%dma_start3A_77 : memref<100000x1024xf32, #tpu.memory_space<hbm>>) target(%arg6 : memref<16x1024xf32, #tpu.memory_space<vmem>>) offsets(%dma_start3A_74 : memref<16xi32, #tpu.memory_space<vmem>>) semaphore(%arg10 : memref<!tpu.dma_semaphore, #tpu.memory_space<semaphore_mem>>)
    %dma_wait3A_78 = arith.constant 16 : i32
    %dma_wait3A_79 = tpu.memref_slice %arg5[%dma_wait3A_78] : memref<128xi32, #tpu.memory_space<vmem>> -> memref<16xi32, #tpu.memory_space<vmem>>
    %dma_wait3A_80 = arith.constant 0 : i32
    %dma_wait3A_81 = arith.constant 0 : i32
    %dma_wait3A_82 = tpu.memref_slice %arg3[%dma_wait3A_80, %dma_wait3A_81] : memref<100000x1024xf32, #tpu.memory_space<hbm>> -> memref<100000x1024xf32, #tpu.memory_space<hbm>>
    tpu.wait_indirect_dma semaphore(%arg11 : memref<!tpu.dma_semaphore, #tpu.memory_space<semaphore_mem>>) src(%dma_wait3A_82 : memref<100000x1024xf32, #tpu.memory_space<hbm>>) dst(%arg7 : memref<16x1024xf32, #tpu.memory_space<vmem>>)
    %add3A_83 = arith.constant 16 : i32
    %add3A_84 = arith.addi %mul3A_2, %add3A_83 : i32
    %dma_start3A_85 = arith.constant 0 : i32
    %dma_start3A_86 = tpu.memref_slice %arg4[%add3A_84, %dma_start3A_85] : memref<4096x1024xf32, #tpu.memory_space<hbm>> -> memref<16x1024xf32, #tpu.memory_space<hbm>>
    %dma_start3A_87 = arith.constant 0 : i32
    %dma_start3A_88 = tpu.memref_slice %arg4[%add3A_84, %dma_start3A_87] : memref<4096x1024xf32, #tpu.memory_space<hbm>> -> memref<16x1024xf32, #tpu.memory_space<hbm>>
    tpu.enqueue_dma source(%arg7 : memref<16x1024xf32, #tpu.memory_space<vmem>>) target(%dma_start3A_88 : memref<16x1024xf32, #tpu.memory_space<hbm>>) target_semaphore(%arg15 : memref<!tpu.dma_semaphore, #tpu.memory_space<semaphore_mem>>)
    %dma_wait3A_89 = arith.constant 0 : i32
    %dma_wait3A_90 = tpu.memref_slice %arg4[%add3A_84, %dma_wait3A_89] : memref<4096x1024xf32, #tpu.memory_space<hbm>> -> memref<16x1024xf32, #tpu.memory_space<hbm>>
    %dma_wait3A_91 = arith.constant 0 : i32
    %dma_wait3A_92 = tpu.memref_slice %arg4[%add3A_84, %dma_wait3A_91] : memref<4096x1024xf32, #tpu.memory_space<hbm>> -> memref<16x1024xf32, #tpu.memory_space<hbm>>
    tpu.wait_dma2 semaphore(%arg15 : memref<!tpu.dma_semaphore, #tpu.memory_space<semaphore_mem>>) src(%arg7 : memref<16x1024xf32, #tpu.memory_space<vmem>>) dst(%dma_wait3A_92 : memref<16x1024xf32, #tpu.memory_space<hbm>>)
    %dma_start3A_93 = arith.constant 80 : i32
    %dma_start3A_94 = tpu.memref_slice %arg5[%dma_start3A_93] : memref<128xi32, #tpu.memory_space<vmem>> -> memref<16xi32, #tpu.memory_space<vmem>>
    %dma_start3A_95 = arith.constant 0 : i32
    %dma_start3A_96 = arith.constant 0 : i32
    %dma_start3A_97 = tpu.memref_slice %arg3[%dma_start3A_95, %dma_start3A_96] : memref<100000x1024xf32, #tpu.memory_space<hbm>> -> memref<100000x1024xf32, #tpu.memory_space<hbm>>
    tpu.enqueue_indirect_dma source(%dma_start3A_97 : memref<100000x1024xf32, #tpu.memory_space<hbm>>) target(%arg7 : memref<16x1024xf32, #tpu.memory_space<vmem>>) offsets(%dma_start3A_94 : memref<16xi32, #tpu.memory_space<vmem>>) semaphore(%arg11 : memref<!tpu.dma_semaphore, #tpu.memory_space<semaphore_mem>>)
    %dma_wait3A_98 = arith.constant 32 : i32
    %dma_wait3A_99 = tpu.memref_slice %arg5[%dma_wait3A_98] : memref<128xi32, #tpu.memory_space<vmem>> -> memref<16xi32, #tpu.memory_space<vmem>>
    %dma_wait3A_100 = arith.constant 0 : i32
    %dma_wait3A_101 = arith.constant 0 : i32
    %dma_wait3A_102 = tpu.memref_slice %arg3[%dma_wait3A_100, %dma_wait3A_101] : memref<100000x1024xf32, #tpu.memory_space<hbm>> -> memref<100000x1024xf32, #tpu.memory_space<hbm>>
    tpu.wait_indirect_dma semaphore(%arg12 : memref<!tpu.dma_semaphore, #tpu.memory_space<semaphore_mem>>) src(%dma_wait3A_102 : memref<100000x1024xf32, #tpu.memory_space<hbm>>) dst(%arg8 : memref<16x1024xf32, #tpu.memory_space<vmem>>)
    %add3A_103 = arith.constant 32 : i32
    %add3A_104 = arith.addi %mul3A_2, %add3A_103 : i32
    %dma_start3A_105 = arith.constant 0 : i32
    %dma_start3A_106 = tpu.memref_slice %arg4[%add3A_104, %dma_start3A_105] : memref<4096x1024xf32, #tpu.memory_space<hbm>> -> memref<16x1024xf32, #tpu.memory_space<hbm>>
    %dma_start3A_107 = arith.constant 0 : i32
    %dma_start3A_108 = tpu.memref_slice %arg4[%add3A_104, %dma_start3A_107] : memref<4096x1024xf32, #tpu.memory_space<hbm>> -> memref<16x1024xf32, #tpu.memory_space<hbm>>
    tpu.enqueue_dma source(%arg8 : memref<16x1024xf32, #tpu.memory_space<vmem>>) target(%dma_start3A_108 : memref<16x1024xf32, #tpu.memory_space<hbm>>) target_semaphore(%arg16 : memref<!tpu.dma_semaphore, #tpu.memory_space<semaphore_mem>>)
    %dma_wait3A_109 = arith.constant 0 : i32
    %dma_wait3A_110 = tpu.memref_slice %arg4[%add3A_104, %dma_wait3A_109] : memref<4096x1024xf32, #tpu.memory_space<hbm>> -> memref<16x1024xf32, #tpu.memory_space<hbm>>
    %dma_wait3A_111 = arith.constant 0 : i32
    %dma_wait3A_112 = tpu.memref_slice %arg4[%add3A_104, %dma_wait3A_111] : memref<4096x1024xf32, #tpu.memory_space<hbm>> -> memref<16x1024xf32, #tpu.memory_space<hbm>>
    tpu.wait_dma2 semaphore(%arg16 : memref<!tpu.dma_semaphore, #tpu.memory_space<semaphore_mem>>) src(%arg8 : memref<16x1024xf32, #tpu.memory_space<vmem>>) dst(%dma_wait3A_112 : memref<16x1024xf32, #tpu.memory_space<hbm>>)
    %dma_start3A_113 = arith.constant 96 : i32
    %dma_start3A_114 = tpu.memref_slice %arg5[%dma_start3A_113] : memref<128xi32, #tpu.memory_space<vmem>> -> memref<16xi32, #tpu.memory_space<vmem>>
    %dma_start3A_115 = arith.constant 0 : i32
    %dma_start3A_116 = arith.constant 0 : i32
    %dma_start3A_117 = tpu.memref_slice %arg3[%dma_start3A_115, %dma_start3A_116] : memref<100000x1024xf32, #tpu.memory_space<hbm>> -> memref<100000x1024xf32, #tpu.memory_space<hbm>>
    tpu.enqueue_indirect_dma source(%dma_start3A_117 : memref<100000x1024xf32, #tpu.memory_space<hbm>>) target(%arg8 : memref<16x1024xf32, #tpu.memory_space<vmem>>) offsets(%dma_start3A_114 : memref<16xi32, #tpu.memory_space<vmem>>) semaphore(%arg12 : memref<!tpu.dma_semaphore, #tpu.memory_space<semaphore_mem>>)
    %dma_wait3A_118 = arith.constant 48 : i32
    %dma_wait3A_119 = tpu.memref_slice %arg5[%dma_wait3A_118] : memref<128xi32, #tpu.memory_space<vmem>> -> memref<16xi32, #tpu.memory_space<vmem>>
    %dma_wait3A_120 = arith.constant 0 : i32
    %dma_wait3A_121 = arith.constant 0 : i32
    %dma_wait3A_122 = tpu.memref_slice %arg3[%dma_wait3A_120, %dma_wait3A_121] : memref<100000x1024xf32, #tpu.memory_space<hbm>> -> memref<100000x1024xf32, #tpu.memory_space<hbm>>
    tpu.wait_indirect_dma semaphore(%arg13 : memref<!tpu.dma_semaphore, #tpu.memory_space<semaphore_mem>>) src(%dma_wait3A_122 : memref<100000x1024xf32, #tpu.memory_space<hbm>>) dst(%arg9 : memref<16x1024xf32, #tpu.memory_space<vmem>>)
    %add3A_123 = arith.constant 48 : i32
    %add3A_124 = arith.addi %mul3A_2, %add3A_123 : i32
    %dma_start3A_125 = arith.constant 0 : i32
    %dma_start3A_126 = tpu.memref_slice %arg4[%add3A_124, %dma_start3A_125] : memref<4096x1024xf32, #tpu.memory_space<hbm>> -> memref<16x1024xf32, #tpu.memory_space<hbm>>
    %dma_start3A_127 = arith.constant 0 : i32
    %dma_start3A_128 = tpu.memref_slice %arg4[%add3A_124, %dma_start3A_127] : memref<4096x1024xf32, #tpu.memory_space<hbm>> -> memref<16x1024xf32, #tpu.memory_space<hbm>>
    tpu.enqueue_dma source(%arg9 : memref<16x1024xf32, #tpu.memory_space<vmem>>) target(%dma_start3A_128 : memref<16x1024xf32, #tpu.memory_space<hbm>>) target_semaphore(%arg17 : memref<!tpu.dma_semaphore, #tpu.memory_space<semaphore_mem>>)
    %dma_wait3A_129 = arith.constant 0 : i32
    %dma_wait3A_130 = tpu.memref_slice %arg4[%add3A_124, %dma_wait3A_129] : memref<4096x1024xf32, #tpu.memory_space<hbm>> -> memref<16x1024xf32, #tpu.memory_space<hbm>>
    %dma_wait3A_131 = arith.constant 0 : i32
    %dma_wait3A_132 = tpu.memref_slice %arg4[%add3A_124, %dma_wait3A_131] : memref<4096x1024xf32, #tpu.memory_space<hbm>> -> memref<16x1024xf32, #tpu.memory_space<hbm>>
    tpu.wait_dma2 semaphore(%arg17 : memref<!tpu.dma_semaphore, #tpu.memory_space<semaphore_mem>>) src(%arg9 : memref<16x1024xf32, #tpu.memory_space<vmem>>) dst(%dma_wait3A_132 : memref<16x1024xf32, #tpu.memory_space<hbm>>)
    %dma_start3A_133 = arith.constant 112 : i32
    %dma_start3A_134 = tpu.memref_slice %arg5[%dma_start3A_133] : memref<128xi32, #tpu.memory_space<vmem>> -> memref<16xi32, #tpu.memory_space<vmem>>
    %dma_start3A_135 = arith.constant 0 : i32
    %dma_start3A_136 = arith.constant 0 : i32
    %dma_start3A_137 = tpu.memref_slice %arg3[%dma_start3A_135, %dma_start3A_136] : memref<100000x1024xf32, #tpu.memory_space<hbm>> -> memref<100000x1024xf32, #tpu.memory_space<hbm>>
    tpu.enqueue_indirect_dma source(%dma_start3A_137 : memref<100000x1024xf32, #tpu.memory_space<hbm>>) target(%arg9 : memref<16x1024xf32, #tpu.memory_space<vmem>>) offsets(%dma_start3A_134 : memref<16xi32, #tpu.memory_space<vmem>>) semaphore(%arg13 : memref<!tpu.dma_semaphore, #tpu.memory_space<semaphore_mem>>)
    %dma_wait3A_138 = arith.constant 64 : i32
    %dma_wait3A_139 = tpu.memref_slice %arg5[%dma_wait3A_138] : memref<128xi32, #tpu.memory_space<vmem>> -> memref<16xi32, #tpu.memory_space<vmem>>
    %dma_wait3A_140 = arith.constant 0 : i32
    %dma_wait3A_141 = arith.constant 0 : i32
    %dma_wait3A_142 = tpu.memref_slice %arg3[%dma_wait3A_140, %dma_wait3A_141] : memref<100000x1024xf32, #tpu.memory_space<hbm>> -> memref<100000x1024xf32, #tpu.memory_space<hbm>>
    tpu.wait_indirect_dma semaphore(%arg10 : memref<!tpu.dma_semaphore, #tpu.memory_space<semaphore_mem>>) src(%dma_wait3A_142 : memref<100000x1024xf32, #tpu.memory_space<hbm>>) dst(%arg6 : memref<16x1024xf32, #tpu.memory_space<vmem>>)
    %add3A_143 = arith.constant 64 : i32
    %add3A_144 = arith.addi %mul3A_2, %add3A_143 : i32
    %dma_start3A_145 = arith.constant 0 : i32
    %dma_start3A_146 = tpu.memref_slice %arg4[%add3A_144, %dma_start3A_145] : memref<4096x1024xf32, #tpu.memory_space<hbm>> -> memref<16x1024xf32, #tpu.memory_space<hbm>>
    %dma_start3A_147 = arith.constant 0 : i32
    %dma_start3A_148 = tpu.memref_slice %arg4[%add3A_144, %dma_start3A_147] : memref<4096x1024xf32, #tpu.memory_space<hbm>> -> memref<16x1024xf32, #tpu.memory_space<hbm>>
    tpu.enqueue_dma source(%arg6 : memref<16x1024xf32, #tpu.memory_space<vmem>>) target(%dma_start3A_148 : memref<16x1024xf32, #tpu.memory_space<hbm>>) target_semaphore(%arg14 : memref<!tpu.dma_semaphore, #tpu.memory_space<semaphore_mem>>)
    %dma_wait3A_149 = arith.constant 80 : i32
    %dma_wait3A_150 = tpu.memref_slice %arg5[%dma_wait3A_149] : memref<128xi32, #tpu.memory_space<vmem>> -> memref<16xi32, #tpu.memory_space<vmem>>
    %dma_wait3A_151 = arith.constant 0 : i32
    %dma_wait3A_152 = arith.constant 0 : i32
    %dma_wait3A_153 = tpu.memref_slice %arg3[%dma_wait3A_151, %dma_wait3A_152] : memref<100000x1024xf32, #tpu.memory_space<hbm>> -> memref<100000x1024xf32, #tpu.memory_space<hbm>>
    tpu.wait_indirect_dma semaphore(%arg11 : memref<!tpu.dma_semaphore, #tpu.memory_space<semaphore_mem>>) src(%dma_wait3A_153 : memref<100000x1024xf32, #tpu.memory_space<hbm>>) dst(%arg7 : memref<16x1024xf32, #tpu.memory_space<vmem>>)
    %add3A_154 = arith.constant 80 : i32
    %add3A_155 = arith.addi %mul3A_2, %add3A_154 : i32
    %dma_start3A_156 = arith.constant 0 : i32
    %dma_start3A_157 = tpu.memref_slice %arg4[%add3A_155, %dma_start3A_156] : memref<4096x1024xf32, #tpu.memory_space<hbm>> -> memref<16x1024xf32, #tpu.memory_space<hbm>>
    %dma_start3A_158 = arith.constant 0 : i32
    %dma_start3A_159 = tpu.memref_slice %arg4[%add3A_155, %dma_start3A_158] : memref<4096x1024xf32, #tpu.memory_space<hbm>> -> memref<16x1024xf32, #tpu.memory_space<hbm>>
    tpu.enqueue_dma source(%arg7 : memref<16x1024xf32, #tpu.memory_space<vmem>>) target(%dma_start3A_159 : memref<16x1024xf32, #tpu.memory_space<hbm>>) target_semaphore(%arg15 : memref<!tpu.dma_semaphore, #tpu.memory_space<semaphore_mem>>)
    %dma_wait3A_160 = arith.constant 96 : i32
    %dma_wait3A_161 = tpu.memref_slice %arg5[%dma_wait3A_160] : memref<128xi32, #tpu.memory_space<vmem>> -> memref<16xi32, #tpu.memory_space<vmem>>
    %dma_wait3A_162 = arith.constant 0 : i32
    %dma_wait3A_163 = arith.constant 0 : i32
    %dma_wait3A_164 = tpu.memref_slice %arg3[%dma_wait3A_162, %dma_wait3A_163] : memref<100000x1024xf32, #tpu.memory_space<hbm>> -> memref<100000x1024xf32, #tpu.memory_space<hbm>>
    tpu.wait_indirect_dma semaphore(%arg12 : memref<!tpu.dma_semaphore, #tpu.memory_space<semaphore_mem>>) src(%dma_wait3A_164 : memref<100000x1024xf32, #tpu.memory_space<hbm>>) dst(%arg8 : memref<16x1024xf32, #tpu.memory_space<vmem>>)
    %add3A_165 = arith.constant 96 : i32
    %add3A_166 = arith.addi %mul3A_2, %add3A_165 : i32
    %dma_start3A_167 = arith.constant 0 : i32
    %dma_start3A_168 = tpu.memref_slice %arg4[%add3A_166, %dma_start3A_167] : memref<4096x1024xf32, #tpu.memory_space<hbm>> -> memref<16x1024xf32, #tpu.memory_space<hbm>>
    %dma_start3A_169 = arith.constant 0 : i32
    %dma_start3A_170 = tpu.memref_slice %arg4[%add3A_166, %dma_start3A_169] : memref<4096x1024xf32, #tpu.memory_space<hbm>> -> memref<16x1024xf32, #tpu.memory_space<hbm>>
    tpu.enqueue_dma source(%arg8 : memref<16x1024xf32, #tpu.memory_space<vmem>>) target(%dma_start3A_170 : memref<16x1024xf32, #tpu.memory_space<hbm>>) target_semaphore(%arg16 : memref<!tpu.dma_semaphore, #tpu.memory_space<semaphore_mem>>)
    %dma_wait3A_171 = arith.constant 112 : i32
    %dma_wait3A_172 = tpu.memref_slice %arg5[%dma_wait3A_171] : memref<128xi32, #tpu.memory_space<vmem>> -> memref<16xi32, #tpu.memory_space<vmem>>
    %dma_wait3A_173 = arith.constant 0 : i32
    %dma_wait3A_174 = arith.constant 0 : i32
    %dma_wait3A_175 = tpu.memref_slice %arg3[%dma_wait3A_173, %dma_wait3A_174] : memref<100000x1024xf32, #tpu.memory_space<hbm>> -> memref<100000x1024xf32, #tpu.memory_space<hbm>>
    tpu.wait_indirect_dma semaphore(%arg13 : memref<!tpu.dma_semaphore, #tpu.memory_space<semaphore_mem>>) src(%dma_wait3A_175 : memref<100000x1024xf32, #tpu.memory_space<hbm>>) dst(%arg9 : memref<16x1024xf32, #tpu.memory_space<vmem>>)
    %add3A_176 = arith.constant 112 : i32
    %add3A_177 = arith.addi %mul3A_2, %add3A_176 : i32
    %dma_start3A_178 = arith.constant 0 : i32
    %dma_start3A_179 = tpu.memref_slice %arg4[%add3A_177, %dma_start3A_178] : memref<4096x1024xf32, #tpu.memory_space<hbm>> -> memref<16x1024xf32, #tpu.memory_space<hbm>>
    %dma_start3A_180 = arith.constant 0 : i32
    %dma_start3A_181 = tpu.memref_slice %arg4[%add3A_177, %dma_start3A_180] : memref<4096x1024xf32, #tpu.memory_space<hbm>> -> memref<16x1024xf32, #tpu.memory_space<hbm>>
    tpu.enqueue_dma source(%arg9 : memref<16x1024xf32, #tpu.memory_space<vmem>>) target(%dma_start3A_181 : memref<16x1024xf32, #tpu.memory_space<hbm>>) target_semaphore(%arg17 : memref<!tpu.dma_semaphore, #tpu.memory_space<semaphore_mem>>)
    %dma_wait3A_182 = arith.constant 0 : i32
    %dma_wait3A_183 = tpu.memref_slice %arg4[%add3A_144, %dma_wait3A_182] : memref<4096x1024xf32, #tpu.memory_space<hbm>> -> memref<16x1024xf32, #tpu.memory_space<hbm>>
    %dma_wait3A_184 = arith.constant 0 : i32
    %dma_wait3A_185 = tpu.memref_slice %arg4[%add3A_144, %dma_wait3A_184] : memref<4096x1024xf32, #tpu.memory_space<hbm>> -> memref<16x1024xf32, #tpu.memory_space<hbm>>
    tpu.wait_dma2 semaphore(%arg14 : memref<!tpu.dma_semaphore, #tpu.memory_space<semaphore_mem>>) src(%arg6 : memref<16x1024xf32, #tpu.memory_space<vmem>>) dst(%dma_wait3A_185 : memref<16x1024xf32, #tpu.memory_space<hbm>>)
    %dma_wait3A_186 = arith.constant 0 : i32
    %dma_wait3A_187 = tpu.memref_slice %arg4[%add3A_155, %dma_wait3A_186] : memref<4096x1024xf32, #tpu.memory_space<hbm>> -> memref<16x1024xf32, #tpu.memory_space<hbm>>
    %dma_wait3A_188 = arith.constant 0 : i32
    %dma_wait3A_189 = tpu.memref_slice %arg4[%add3A_155, %dma_wait3A_188] : memref<4096x1024xf32, #tpu.memory_space<hbm>> -> memref<16x1024xf32, #tpu.memory_space<hbm>>
    tpu.wait_dma2 semaphore(%arg15 : memref<!tpu.dma_semaphore, #tpu.memory_space<semaphore_mem>>) src(%arg7 : memref<16x1024xf32, #tpu.memory_space<vmem>>) dst(%dma_wait3A_189 : memref<16x1024xf32, #tpu.memory_space<hbm>>)
    %dma_wait3A_190 = arith.constant 0 : i32
    %dma_wait3A_191 = tpu.memref_slice %arg4[%add3A_166, %dma_wait3A_190] : memref<4096x1024xf32, #tpu.memory_space<hbm>> -> memref<16x1024xf32, #tpu.memory_space<hbm>>
    %dma_wait3A_192 = arith.constant 0 : i32
    %dma_wait3A_193 = tpu.memref_slice %arg4[%add3A_166, %dma_wait3A_192] : memref<4096x1024xf32, #tpu.memory_space<hbm>> -> memref<16x1024xf32, #tpu.memory_space<hbm>>
    tpu.wait_dma2 semaphore(%arg16 : memref<!tpu.dma_semaphore, #tpu.memory_space<semaphore_mem>>) src(%arg8 : memref<16x1024xf32, #tpu.memory_space<vmem>>) dst(%dma_wait3A_193 : memref<16x1024xf32, #tpu.memory_space<hbm>>)
    %dma_wait3A_194 = arith.constant 0 : i32
    %dma_wait3A_195 = tpu.memref_slice %arg4[%add3A_177, %dma_wait3A_194] : memref<4096x1024xf32, #tpu.memory_space<hbm>> -> memref<16x1024xf32, #tpu.memory_space<hbm>>
    %dma_wait3A_196 = arith.constant 0 : i32
    %dma_wait3A_197 = tpu.memref_slice %arg4[%add3A_177, %dma_wait3A_196] : memref<4096x1024xf32, #tpu.memory_space<hbm>> -> memref<16x1024xf32, #tpu.memory_space<hbm>>
    tpu.wait_dma2 semaphore(%arg17 : memref<!tpu.dma_semaphore, #tpu.memory_space<semaphore_mem>>) src(%arg9 : memref<16x1024xf32, #tpu.memory_space<vmem>>) dst(%dma_wait3A_197 : memref<16x1024xf32, #tpu.memory_space<hbm>>)
    return
  }
}

#map = affine_map<(d0, d1) -> (0)>
#map1 = affine_map<(d0, d1) -> (0, 0)>
module attributes {stable_mosaic.version = 14 : i64} {
  func.func @_gather_body(%arg0: i32, %arg1: i32, %arg2: memref<8192xi32, #tpu.memory_space<hbm>>, %arg3: memref<100000x1024xf32, #tpu.memory_space<hbm>>, %arg4: memref<4096x1024xf32, #tpu.memory_space<hbm>>, %arg5: memref<128xi32, #tpu.memory_space<vmem>>, %arg6: memref<16x1024xf32, #tpu.memory_space<vmem>>, %arg7: memref<16x1024xf32, #tpu.memory_space<vmem>>, %arg8: memref<16x1024xf32, #tpu.memory_space<vmem>>, %arg9: memref<16x1024xf32, #tpu.memory_space<vmem>>, %arg10: memref<!tpu.dma_semaphore, #tpu.memory_space<semaphore_mem>>, %arg11: memref<!tpu.dma_semaphore, #tpu.memory_space<semaphore_mem>>, %arg12: memref<!tpu.dma_semaphore, #tpu.memory_space<semaphore_mem>>, %arg13: memref<!tpu.dma_semaphore, #tpu.memory_space<semaphore_mem>>, %arg14: memref<!tpu.dma_semaphore, #tpu.memory_space<semaphore_mem>>, %arg15: memref<!tpu.dma_semaphore, #tpu.memory_space<semaphore_mem>>, %arg16: memref<!tpu.dma_semaphore, #tpu.memory_space<semaphore_mem>>, %arg17: memref<!tpu.dma_semaphore, #tpu.memory_space<semaphore_mem>>) attributes {dimension_semantics = [#tpu.dimension_semantics<core_parallel>, #tpu.dimension_semantics<subcore_parallel>], iteration_bounds = array<i64: 2, 16>, scalar_prefetch = 0 : i64, scratch_operands = 13 : i64, tpu.core_type = #tpu.core_type<sc_vector_subcore>, window_params = [{transform_indices = #map}, {transform_indices = #map1}, {transform_indices = #map1}]} {
    %mul3A = arith.constant 2 : i32
    %mul3A_0 = arith.muli %arg1, %mul3A : i32
    %add3A = arith.addi %mul3A_0, %arg0 : i32
    %mul3A_1 = arith.constant 128 : i32
    %mul3A_2 = arith.muli %add3A, %mul3A_1 : i32
    %jit3A = arith.constant 8 : i32
    %div3A = arith.divsi %add3A, %jit3A : i32
    %sign3A = arith.constant 0 : i32
    %sign3A_3 = arith.cmpi sgt, %add3A, %sign3A : i32
    %sign3A_4 = arith.extui %sign3A_3 : i1 to i32
    %sign3A_5 = arith.constant 0 : i32
    %sign3A_6 = arith.cmpi slt, %add3A, %sign3A_5 : i32
    %sign3A_7 = arith.extui %sign3A_6 : i1 to i32
    %sign3A_8 = arith.subi %sign3A_4, %sign3A_7 : i32
    %sign3A_9 = arith.constant 0 : i32
    %sign3A_10 = arith.cmpi sgt, %jit3A, %sign3A_9 : i32
    %sign3A_11 = arith.extui %sign3A_10 : i1 to i32
    %sign3A_12 = arith.constant 0 : i32
    %sign3A_13 = arith.cmpi slt, %jit3A, %sign3A_12 : i32
    %sign3A_14 = arith.extui %sign3A_13 : i1 to i32
    %sign3A_15 = arith.subi %sign3A_11, %sign3A_14 : i32
    %ne3A = arith.cmpi ne, %sign3A_8, %sign3A_15 : i32
    %rem3A = arith.remsi %add3A, %jit3A : i32
    %ne3A_16 = arith.constant 0 : i32
    %ne3A_17 = arith.cmpi ne, %rem3A, %ne3A_16 : i32
    %and3A = arith.andi %ne3A, %ne3A_17 : i1
    %sub3A = arith.constant 1 : i32
    %sub3A_18 = arith.subi %div3A, %sub3A : i32
    %select_n3A = arith.select %and3A, %sub3A_18, %div3A : i32
    %mul3A_19 = arith.constant 2048 : i32
    %mul3A_20 = arith.muli %select_n3A, %mul3A_19 : i32
    %add3A_21 = arith.constant 1024 : i32
    %add3A_22 = arith.addi %mul3A_20, %add3A_21 : i32
    %jit3A_23 = arith.constant 8 : i32
    %eq3A = arith.constant 0 : i32
    %eq3A_24 = arith.cmpi eq, %jit3A_23, %eq3A : i32
    %jit3A_25 = arith.constant 1 : i32
    %select_n3A_26 = arith.select %eq3A_24, %jit3A_25, %jit3A_23 : i32
    %rem3A_27 = arith.remsi %add3A, %select_n3A_26 : i32
    %ne3A_28 = arith.constant 0 : i32
    %ne3A_29 = arith.cmpi ne, %rem3A_27, %ne3A_28 : i32
    %lt3A = arith.constant 0 : i32
    %lt3A_30 = arith.cmpi slt, %rem3A_27, %lt3A : i32
    %lt3A_31 = arith.constant 0 : i32
    %lt3A_32 = arith.cmpi slt, %select_n3A_26, %lt3A_31 : i32
    %ne3A_33 = arith.xori %lt3A_30, %lt3A_32 : i1
    %and3A_34 = arith.andi %ne3A_33, %ne3A_29 : i1
    %add3A_35 = arith.addi %rem3A_27, %select_n3A_26 : i32
    %select_n3A_36 = arith.select %and3A_34, %add3A_35, %rem3A_27 : i32
    %mul3A_37 = arith.constant 128 : i32
    %mul3A_38 = arith.muli %select_n3A_36, %mul3A_37 : i32
    %add3A_39 = arith.addi %add3A_22, %mul3A_38 : i32
    "tpu.region"() ({
      %run_scoped3A = tpu.sem_alloc : memref<!tpu.dma_semaphore, #tpu.memory_space<semaphore_mem>>
      %dma_start3A_198 = tpu.memref_slice %arg2[%add3A_39] : memref<8192xi32, #tpu.memory_space<hbm>> -> memref<128xi32, #tpu.memory_space<hbm>>
      %dma_start3A_199 = tpu.memref_slice %arg2[%add3A_39] : memref<8192xi32, #tpu.memory_space<hbm>> -> memref<128xi32, #tpu.memory_space<hbm>>
      tpu.enqueue_dma source(%dma_start3A_199 : memref<128xi32, #tpu.memory_space<hbm>>) target(%arg5 : memref<128xi32, #tpu.memory_space<vmem>>) target_semaphore(%run_scoped3A : memref<!tpu.dma_semaphore, #tpu.memory_space<semaphore_mem>>)
      %dma_wait3A_200 = tpu.memref_slice %arg2[%add3A_39] : memref<8192xi32, #tpu.memory_space<hbm>> -> memref<128xi32, #tpu.memory_space<hbm>>
      %dma_wait3A_201 = tpu.memref_slice %arg2[%add3A_39] : memref<8192xi32, #tpu.memory_space<hbm>> -> memref<128xi32, #tpu.memory_space<hbm>>
      tpu.wait_dma2 semaphore(%run_scoped3A : memref<!tpu.dma_semaphore, #tpu.memory_space<semaphore_mem>>) src(%dma_wait3A_201 : memref<128xi32, #tpu.memory_space<hbm>>) dst(%arg5 : memref<128xi32, #tpu.memory_space<vmem>>)
      tpu.yield
    }) : () -> ()
    %dma_start3A = arith.constant 0 : i32
    %dma_start3A_40 = tpu.memref_slice %arg5[%dma_start3A] : memref<128xi32, #tpu.memory_space<vmem>> -> memref<16xi32, #tpu.memory_space<vmem>>
    %dma_start3A_41 = arith.constant 0 : i32
    %dma_start3A_42 = arith.constant 0 : i32
    %dma_start3A_43 = tpu.memref_slice %arg3[%dma_start3A_41, %dma_start3A_42] : memref<100000x1024xf32, #tpu.memory_space<hbm>> -> memref<100000x1024xf32, #tpu.memory_space<hbm>>
    tpu.enqueue_indirect_dma source(%dma_start3A_43 : memref<100000x1024xf32, #tpu.memory_space<hbm>>) target(%arg6 : memref<16x1024xf32, #tpu.memory_space<vmem>>) offsets(%dma_start3A_40 : memref<16xi32, #tpu.memory_space<vmem>>) semaphore(%arg10 : memref<!tpu.dma_semaphore, #tpu.memory_space<semaphore_mem>>)
    %dma_start3A_44 = arith.constant 16 : i32
    %dma_start3A_45 = tpu.memref_slice %arg5[%dma_start3A_44] : memref<128xi32, #tpu.memory_space<vmem>> -> memref<16xi32, #tpu.memory_space<vmem>>
    %dma_start3A_46 = arith.constant 0 : i32
    %dma_start3A_47 = arith.constant 0 : i32
    %dma_start3A_48 = tpu.memref_slice %arg3[%dma_start3A_46, %dma_start3A_47] : memref<100000x1024xf32, #tpu.memory_space<hbm>> -> memref<100000x1024xf32, #tpu.memory_space<hbm>>
    tpu.enqueue_indirect_dma source(%dma_start3A_48 : memref<100000x1024xf32, #tpu.memory_space<hbm>>) target(%arg7 : memref<16x1024xf32, #tpu.memory_space<vmem>>) offsets(%dma_start3A_45 : memref<16xi32, #tpu.memory_space<vmem>>) semaphore(%arg11 : memref<!tpu.dma_semaphore, #tpu.memory_space<semaphore_mem>>)
    %dma_start3A_49 = arith.constant 32 : i32
    %dma_start3A_50 = tpu.memref_slice %arg5[%dma_start3A_49] : memref<128xi32, #tpu.memory_space<vmem>> -> memref<16xi32, #tpu.memory_space<vmem>>
    %dma_start3A_51 = arith.constant 0 : i32
    %dma_start3A_52 = arith.constant 0 : i32
    %dma_start3A_53 = tpu.memref_slice %arg3[%dma_start3A_51, %dma_start3A_52] : memref<100000x1024xf32, #tpu.memory_space<hbm>> -> memref<100000x1024xf32, #tpu.memory_space<hbm>>
    tpu.enqueue_indirect_dma source(%dma_start3A_53 : memref<100000x1024xf32, #tpu.memory_space<hbm>>) target(%arg8 : memref<16x1024xf32, #tpu.memory_space<vmem>>) offsets(%dma_start3A_50 : memref<16xi32, #tpu.memory_space<vmem>>) semaphore(%arg12 : memref<!tpu.dma_semaphore, #tpu.memory_space<semaphore_mem>>)
    %dma_start3A_54 = arith.constant 48 : i32
    %dma_start3A_55 = tpu.memref_slice %arg5[%dma_start3A_54] : memref<128xi32, #tpu.memory_space<vmem>> -> memref<16xi32, #tpu.memory_space<vmem>>
    %dma_start3A_56 = arith.constant 0 : i32
    %dma_start3A_57 = arith.constant 0 : i32
    %dma_start3A_58 = tpu.memref_slice %arg3[%dma_start3A_56, %dma_start3A_57] : memref<100000x1024xf32, #tpu.memory_space<hbm>> -> memref<100000x1024xf32, #tpu.memory_space<hbm>>
    tpu.enqueue_indirect_dma source(%dma_start3A_58 : memref<100000x1024xf32, #tpu.memory_space<hbm>>) target(%arg9 : memref<16x1024xf32, #tpu.memory_space<vmem>>) offsets(%dma_start3A_55 : memref<16xi32, #tpu.memory_space<vmem>>) semaphore(%arg13 : memref<!tpu.dma_semaphore, #tpu.memory_space<semaphore_mem>>)
    %dma_wait3A = arith.constant 0 : i32
    %dma_wait3A_59 = tpu.memref_slice %arg5[%dma_wait3A] : memref<128xi32, #tpu.memory_space<vmem>> -> memref<16xi32, #tpu.memory_space<vmem>>
    %dma_wait3A_60 = arith.constant 0 : i32
    %dma_wait3A_61 = arith.constant 0 : i32
    %dma_wait3A_62 = tpu.memref_slice %arg3[%dma_wait3A_60, %dma_wait3A_61] : memref<100000x1024xf32, #tpu.memory_space<hbm>> -> memref<100000x1024xf32, #tpu.memory_space<hbm>>
    tpu.wait_indirect_dma semaphore(%arg10 : memref<!tpu.dma_semaphore, #tpu.memory_space<semaphore_mem>>) src(%dma_wait3A_62 : memref<100000x1024xf32, #tpu.memory_space<hbm>>) dst(%arg6 : memref<16x1024xf32, #tpu.memory_space<vmem>>)
    %add3A_63 = arith.constant 0 : i32
    %add3A_64 = arith.addi %mul3A_2, %add3A_63 : i32
    %dma_start3A_65 = arith.constant 0 : i32
    %dma_start3A_66 = tpu.memref_slice %arg4[%add3A_64, %dma_start3A_65] : memref<4096x1024xf32, #tpu.memory_space<hbm>> -> memref<16x1024xf32, #tpu.memory_space<hbm>>
    %dma_start3A_67 = arith.constant 0 : i32
    %dma_start3A_68 = tpu.memref_slice %arg4[%add3A_64, %dma_start3A_67] : memref<4096x1024xf32, #tpu.memory_space<hbm>> -> memref<16x1024xf32, #tpu.memory_space<hbm>>
    tpu.enqueue_dma source(%arg6 : memref<16x1024xf32, #tpu.memory_space<vmem>>) target(%dma_start3A_68 : memref<16x1024xf32, #tpu.memory_space<hbm>>) target_semaphore(%arg14 : memref<!tpu.dma_semaphore, #tpu.memory_space<semaphore_mem>>)
    %dma_wait3A_69 = arith.constant 0 : i32
    %dma_wait3A_70 = tpu.memref_slice %arg4[%add3A_64, %dma_wait3A_69] : memref<4096x1024xf32, #tpu.memory_space<hbm>> -> memref<16x1024xf32, #tpu.memory_space<hbm>>
    %dma_wait3A_71 = arith.constant 0 : i32
    %dma_wait3A_72 = tpu.memref_slice %arg4[%add3A_64, %dma_wait3A_71] : memref<4096x1024xf32, #tpu.memory_space<hbm>> -> memref<16x1024xf32, #tpu.memory_space<hbm>>
    tpu.wait_dma2 semaphore(%arg14 : memref<!tpu.dma_semaphore, #tpu.memory_space<semaphore_mem>>) src(%arg6 : memref<16x1024xf32, #tpu.memory_space<vmem>>) dst(%dma_wait3A_72 : memref<16x1024xf32, #tpu.memory_space<hbm>>)
    %dma_start3A_73 = arith.constant 64 : i32
    %dma_start3A_74 = tpu.memref_slice %arg5[%dma_start3A_73] : memref<128xi32, #tpu.memory_space<vmem>> -> memref<16xi32, #tpu.memory_space<vmem>>
    %dma_start3A_75 = arith.constant 0 : i32
    %dma_start3A_76 = arith.constant 0 : i32
    %dma_start3A_77 = tpu.memref_slice %arg3[%dma_start3A_75, %dma_start3A_76] : memref<100000x1024xf32, #tpu.memory_space<hbm>> -> memref<100000x1024xf32, #tpu.memory_space<hbm>>
    tpu.enqueue_indirect_dma source(%dma_start3A_77 : memref<100000x1024xf32, #tpu.memory_space<hbm>>) target(%arg6 : memref<16x1024xf32, #tpu.memory_space<vmem>>) offsets(%dma_start3A_74 : memref<16xi32, #tpu.memory_space<vmem>>) semaphore(%arg10 : memref<!tpu.dma_semaphore, #tpu.memory_space<semaphore_mem>>)
    %dma_wait3A_78 = arith.constant 16 : i32
    %dma_wait3A_79 = tpu.memref_slice %arg5[%dma_wait3A_78] : memref<128xi32, #tpu.memory_space<vmem>> -> memref<16xi32, #tpu.memory_space<vmem>>
    %dma_wait3A_80 = arith.constant 0 : i32
    %dma_wait3A_81 = arith.constant 0 : i32
    %dma_wait3A_82 = tpu.memref_slice %arg3[%dma_wait3A_80, %dma_wait3A_81] : memref<100000x1024xf32, #tpu.memory_space<hbm>> -> memref<100000x1024xf32, #tpu.memory_space<hbm>>
    tpu.wait_indirect_dma semaphore(%arg11 : memref<!tpu.dma_semaphore, #tpu.memory_space<semaphore_mem>>) src(%dma_wait3A_82 : memref<100000x1024xf32, #tpu.memory_space<hbm>>) dst(%arg7 : memref<16x1024xf32, #tpu.memory_space<vmem>>)
    %add3A_83 = arith.constant 16 : i32
    %add3A_84 = arith.addi %mul3A_2, %add3A_83 : i32
    %dma_start3A_85 = arith.constant 0 : i32
    %dma_start3A_86 = tpu.memref_slice %arg4[%add3A_84, %dma_start3A_85] : memref<4096x1024xf32, #tpu.memory_space<hbm>> -> memref<16x1024xf32, #tpu.memory_space<hbm>>
    %dma_start3A_87 = arith.constant 0 : i32
    %dma_start3A_88 = tpu.memref_slice %arg4[%add3A_84, %dma_start3A_87] : memref<4096x1024xf32, #tpu.memory_space<hbm>> -> memref<16x1024xf32, #tpu.memory_space<hbm>>
    tpu.enqueue_dma source(%arg7 : memref<16x1024xf32, #tpu.memory_space<vmem>>) target(%dma_start3A_88 : memref<16x1024xf32, #tpu.memory_space<hbm>>) target_semaphore(%arg15 : memref<!tpu.dma_semaphore, #tpu.memory_space<semaphore_mem>>)
    %dma_wait3A_89 = arith.constant 0 : i32
    %dma_wait3A_90 = tpu.memref_slice %arg4[%add3A_84, %dma_wait3A_89] : memref<4096x1024xf32, #tpu.memory_space<hbm>> -> memref<16x1024xf32, #tpu.memory_space<hbm>>
    %dma_wait3A_91 = arith.constant 0 : i32
    %dma_wait3A_92 = tpu.memref_slice %arg4[%add3A_84, %dma_wait3A_91] : memref<4096x1024xf32, #tpu.memory_space<hbm>> -> memref<16x1024xf32, #tpu.memory_space<hbm>>
    tpu.wait_dma2 semaphore(%arg15 : memref<!tpu.dma_semaphore, #tpu.memory_space<semaphore_mem>>) src(%arg7 : memref<16x1024xf32, #tpu.memory_space<vmem>>) dst(%dma_wait3A_92 : memref<16x1024xf32, #tpu.memory_space<hbm>>)
    %dma_start3A_93 = arith.constant 80 : i32
    %dma_start3A_94 = tpu.memref_slice %arg5[%dma_start3A_93] : memref<128xi32, #tpu.memory_space<vmem>> -> memref<16xi32, #tpu.memory_space<vmem>>
    %dma_start3A_95 = arith.constant 0 : i32
    %dma_start3A_96 = arith.constant 0 : i32
    %dma_start3A_97 = tpu.memref_slice %arg3[%dma_start3A_95, %dma_start3A_96] : memref<100000x1024xf32, #tpu.memory_space<hbm>> -> memref<100000x1024xf32, #tpu.memory_space<hbm>>
    tpu.enqueue_indirect_dma source(%dma_start3A_97 : memref<100000x1024xf32, #tpu.memory_space<hbm>>) target(%arg7 : memref<16x1024xf32, #tpu.memory_space<vmem>>) offsets(%dma_start3A_94 : memref<16xi32, #tpu.memory_space<vmem>>) semaphore(%arg11 : memref<!tpu.dma_semaphore, #tpu.memory_space<semaphore_mem>>)
    %dma_wait3A_98 = arith.constant 32 : i32
    %dma_wait3A_99 = tpu.memref_slice %arg5[%dma_wait3A_98] : memref<128xi32, #tpu.memory_space<vmem>> -> memref<16xi32, #tpu.memory_space<vmem>>
    %dma_wait3A_100 = arith.constant 0 : i32
    %dma_wait3A_101 = arith.constant 0 : i32
    %dma_wait3A_102 = tpu.memref_slice %arg3[%dma_wait3A_100, %dma_wait3A_101] : memref<100000x1024xf32, #tpu.memory_space<hbm>> -> memref<100000x1024xf32, #tpu.memory_space<hbm>>
    tpu.wait_indirect_dma semaphore(%arg12 : memref<!tpu.dma_semaphore, #tpu.memory_space<semaphore_mem>>) src(%dma_wait3A_102 : memref<100000x1024xf32, #tpu.memory_space<hbm>>) dst(%arg8 : memref<16x1024xf32, #tpu.memory_space<vmem>>)
    %add3A_103 = arith.constant 32 : i32
    %add3A_104 = arith.addi %mul3A_2, %add3A_103 : i32
    %dma_start3A_105 = arith.constant 0 : i32
    %dma_start3A_106 = tpu.memref_slice %arg4[%add3A_104, %dma_start3A_105] : memref<4096x1024xf32, #tpu.memory_space<hbm>> -> memref<16x1024xf32, #tpu.memory_space<hbm>>
    %dma_start3A_107 = arith.constant 0 : i32
    %dma_start3A_108 = tpu.memref_slice %arg4[%add3A_104, %dma_start3A_107] : memref<4096x1024xf32, #tpu.memory_space<hbm>> -> memref<16x1024xf32, #tpu.memory_space<hbm>>
    tpu.enqueue_dma source(%arg8 : memref<16x1024xf32, #tpu.memory_space<vmem>>) target(%dma_start3A_108 : memref<16x1024xf32, #tpu.memory_space<hbm>>) target_semaphore(%arg16 : memref<!tpu.dma_semaphore, #tpu.memory_space<semaphore_mem>>)
    %dma_wait3A_109 = arith.constant 0 : i32
    %dma_wait3A_110 = tpu.memref_slice %arg4[%add3A_104, %dma_wait3A_109] : memref<4096x1024xf32, #tpu.memory_space<hbm>> -> memref<16x1024xf32, #tpu.memory_space<hbm>>
    %dma_wait3A_111 = arith.constant 0 : i32
    %dma_wait3A_112 = tpu.memref_slice %arg4[%add3A_104, %dma_wait3A_111] : memref<4096x1024xf32, #tpu.memory_space<hbm>> -> memref<16x1024xf32, #tpu.memory_space<hbm>>
    tpu.wait_dma2 semaphore(%arg16 : memref<!tpu.dma_semaphore, #tpu.memory_space<semaphore_mem>>) src(%arg8 : memref<16x1024xf32, #tpu.memory_space<vmem>>) dst(%dma_wait3A_112 : memref<16x1024xf32, #tpu.memory_space<hbm>>)
    %dma_start3A_113 = arith.constant 96 : i32
    %dma_start3A_114 = tpu.memref_slice %arg5[%dma_start3A_113] : memref<128xi32, #tpu.memory_space<vmem>> -> memref<16xi32, #tpu.memory_space<vmem>>
    %dma_start3A_115 = arith.constant 0 : i32
    %dma_start3A_116 = arith.constant 0 : i32
    %dma_start3A_117 = tpu.memref_slice %arg3[%dma_start3A_115, %dma_start3A_116] : memref<100000x1024xf32, #tpu.memory_space<hbm>> -> memref<100000x1024xf32, #tpu.memory_space<hbm>>
    tpu.enqueue_indirect_dma source(%dma_start3A_117 : memref<100000x1024xf32, #tpu.memory_space<hbm>>) target(%arg8 : memref<16x1024xf32, #tpu.memory_space<vmem>>) offsets(%dma_start3A_114 : memref<16xi32, #tpu.memory_space<vmem>>) semaphore(%arg12 : memref<!tpu.dma_semaphore, #tpu.memory_space<semaphore_mem>>)
    %dma_wait3A_118 = arith.constant 48 : i32
    %dma_wait3A_119 = tpu.memref_slice %arg5[%dma_wait3A_118] : memref<128xi32, #tpu.memory_space<vmem>> -> memref<16xi32, #tpu.memory_space<vmem>>
    %dma_wait3A_120 = arith.constant 0 : i32
    %dma_wait3A_121 = arith.constant 0 : i32
    %dma_wait3A_122 = tpu.memref_slice %arg3[%dma_wait3A_120, %dma_wait3A_121] : memref<100000x1024xf32, #tpu.memory_space<hbm>> -> memref<100000x1024xf32, #tpu.memory_space<hbm>>
    tpu.wait_indirect_dma semaphore(%arg13 : memref<!tpu.dma_semaphore, #tpu.memory_space<semaphore_mem>>) src(%dma_wait3A_122 : memref<100000x1024xf32, #tpu.memory_space<hbm>>) dst(%arg9 : memref<16x1024xf32, #tpu.memory_space<vmem>>)
    %add3A_123 = arith.constant 48 : i32
    %add3A_124 = arith.addi %mul3A_2, %add3A_123 : i32
    %dma_start3A_125 = arith.constant 0 : i32
    %dma_start3A_126 = tpu.memref_slice %arg4[%add3A_124, %dma_start3A_125] : memref<4096x1024xf32, #tpu.memory_space<hbm>> -> memref<16x1024xf32, #tpu.memory_space<hbm>>
    %dma_start3A_127 = arith.constant 0 : i32
    %dma_start3A_128 = tpu.memref_slice %arg4[%add3A_124, %dma_start3A_127] : memref<4096x1024xf32, #tpu.memory_space<hbm>> -> memref<16x1024xf32, #tpu.memory_space<hbm>>
    tpu.enqueue_dma source(%arg9 : memref<16x1024xf32, #tpu.memory_space<vmem>>) target(%dma_start3A_128 : memref<16x1024xf32, #tpu.memory_space<hbm>>) target_semaphore(%arg17 : memref<!tpu.dma_semaphore, #tpu.memory_space<semaphore_mem>>)
    %dma_wait3A_129 = arith.constant 0 : i32
    %dma_wait3A_130 = tpu.memref_slice %arg4[%add3A_124, %dma_wait3A_129] : memref<4096x1024xf32, #tpu.memory_space<hbm>> -> memref<16x1024xf32, #tpu.memory_space<hbm>>
    %dma_wait3A_131 = arith.constant 0 : i32
    %dma_wait3A_132 = tpu.memref_slice %arg4[%add3A_124, %dma_wait3A_131] : memref<4096x1024xf32, #tpu.memory_space<hbm>> -> memref<16x1024xf32, #tpu.memory_space<hbm>>
    tpu.wait_dma2 semaphore(%arg17 : memref<!tpu.dma_semaphore, #tpu.memory_space<semaphore_mem>>) src(%arg9 : memref<16x1024xf32, #tpu.memory_space<vmem>>) dst(%dma_wait3A_132 : memref<16x1024xf32, #tpu.memory_space<hbm>>)
    %dma_start3A_133 = arith.constant 112 : i32
    %dma_start3A_134 = tpu.memref_slice %arg5[%dma_start3A_133] : memref<128xi32, #tpu.memory_space<vmem>> -> memref<16xi32, #tpu.memory_space<vmem>>
    %dma_start3A_135 = arith.constant 0 : i32
    %dma_start3A_136 = arith.constant 0 : i32
    %dma_start3A_137 = tpu.memref_slice %arg3[%dma_start3A_135, %dma_start3A_136] : memref<100000x1024xf32, #tpu.memory_space<hbm>> -> memref<100000x1024xf32, #tpu.memory_space<hbm>>
    tpu.enqueue_indirect_dma source(%dma_start3A_137 : memref<100000x1024xf32, #tpu.memory_space<hbm>>) target(%arg9 : memref<16x1024xf32, #tpu.memory_space<vmem>>) offsets(%dma_start3A_134 : memref<16xi32, #tpu.memory_space<vmem>>) semaphore(%arg13 : memref<!tpu.dma_semaphore, #tpu.memory_space<semaphore_mem>>)
    %dma_wait3A_138 = arith.constant 64 : i32
    %dma_wait3A_139 = tpu.memref_slice %arg5[%dma_wait3A_138] : memref<128xi32, #tpu.memory_space<vmem>> -> memref<16xi32, #tpu.memory_space<vmem>>
    %dma_wait3A_140 = arith.constant 0 : i32
    %dma_wait3A_141 = arith.constant 0 : i32
    %dma_wait3A_142 = tpu.memref_slice %arg3[%dma_wait3A_140, %dma_wait3A_141] : memref<100000x1024xf32, #tpu.memory_space<hbm>> -> memref<100000x1024xf32, #tpu.memory_space<hbm>>
    tpu.wait_indirect_dma semaphore(%arg10 : memref<!tpu.dma_semaphore, #tpu.memory_space<semaphore_mem>>) src(%dma_wait3A_142 : memref<100000x1024xf32, #tpu.memory_space<hbm>>) dst(%arg6 : memref<16x1024xf32, #tpu.memory_space<vmem>>)
    %add3A_143 = arith.constant 64 : i32
    %add3A_144 = arith.addi %mul3A_2, %add3A_143 : i32
    %dma_start3A_145 = arith.constant 0 : i32
    %dma_start3A_146 = tpu.memref_slice %arg4[%add3A_144, %dma_start3A_145] : memref<4096x1024xf32, #tpu.memory_space<hbm>> -> memref<16x1024xf32, #tpu.memory_space<hbm>>
    %dma_start3A_147 = arith.constant 0 : i32
    %dma_start3A_148 = tpu.memref_slice %arg4[%add3A_144, %dma_start3A_147] : memref<4096x1024xf32, #tpu.memory_space<hbm>> -> memref<16x1024xf32, #tpu.memory_space<hbm>>
    tpu.enqueue_dma source(%arg6 : memref<16x1024xf32, #tpu.memory_space<vmem>>) target(%dma_start3A_148 : memref<16x1024xf32, #tpu.memory_space<hbm>>) target_semaphore(%arg14 : memref<!tpu.dma_semaphore, #tpu.memory_space<semaphore_mem>>)
    %dma_wait3A_149 = arith.constant 80 : i32
    %dma_wait3A_150 = tpu.memref_slice %arg5[%dma_wait3A_149] : memref<128xi32, #tpu.memory_space<vmem>> -> memref<16xi32, #tpu.memory_space<vmem>>
    %dma_wait3A_151 = arith.constant 0 : i32
    %dma_wait3A_152 = arith.constant 0 : i32
    %dma_wait3A_153 = tpu.memref_slice %arg3[%dma_wait3A_151, %dma_wait3A_152] : memref<100000x1024xf32, #tpu.memory_space<hbm>> -> memref<100000x1024xf32, #tpu.memory_space<hbm>>
    tpu.wait_indirect_dma semaphore(%arg11 : memref<!tpu.dma_semaphore, #tpu.memory_space<semaphore_mem>>) src(%dma_wait3A_153 : memref<100000x1024xf32, #tpu.memory_space<hbm>>) dst(%arg7 : memref<16x1024xf32, #tpu.memory_space<vmem>>)
    %add3A_154 = arith.constant 80 : i32
    %add3A_155 = arith.addi %mul3A_2, %add3A_154 : i32
    %dma_start3A_156 = arith.constant 0 : i32
    %dma_start3A_157 = tpu.memref_slice %arg4[%add3A_155, %dma_start3A_156] : memref<4096x1024xf32, #tpu.memory_space<hbm>> -> memref<16x1024xf32, #tpu.memory_space<hbm>>
    %dma_start3A_158 = arith.constant 0 : i32
    %dma_start3A_159 = tpu.memref_slice %arg4[%add3A_155, %dma_start3A_158] : memref<4096x1024xf32, #tpu.memory_space<hbm>> -> memref<16x1024xf32, #tpu.memory_space<hbm>>
    tpu.enqueue_dma source(%arg7 : memref<16x1024xf32, #tpu.memory_space<vmem>>) target(%dma_start3A_159 : memref<16x1024xf32, #tpu.memory_space<hbm>>) target_semaphore(%arg15 : memref<!tpu.dma_semaphore, #tpu.memory_space<semaphore_mem>>)
    %dma_wait3A_160 = arith.constant 96 : i32
    %dma_wait3A_161 = tpu.memref_slice %arg5[%dma_wait3A_160] : memref<128xi32, #tpu.memory_space<vmem>> -> memref<16xi32, #tpu.memory_space<vmem>>
    %dma_wait3A_162 = arith.constant 0 : i32
    %dma_wait3A_163 = arith.constant 0 : i32
    %dma_wait3A_164 = tpu.memref_slice %arg3[%dma_wait3A_162, %dma_wait3A_163] : memref<100000x1024xf32, #tpu.memory_space<hbm>> -> memref<100000x1024xf32, #tpu.memory_space<hbm>>
    tpu.wait_indirect_dma semaphore(%arg12 : memref<!tpu.dma_semaphore, #tpu.memory_space<semaphore_mem>>) src(%dma_wait3A_164 : memref<100000x1024xf32, #tpu.memory_space<hbm>>) dst(%arg8 : memref<16x1024xf32, #tpu.memory_space<vmem>>)
    %add3A_165 = arith.constant 96 : i32
    %add3A_166 = arith.addi %mul3A_2, %add3A_165 : i32
    %dma_start3A_167 = arith.constant 0 : i32
    %dma_start3A_168 = tpu.memref_slice %arg4[%add3A_166, %dma_start3A_167] : memref<4096x1024xf32, #tpu.memory_space<hbm>> -> memref<16x1024xf32, #tpu.memory_space<hbm>>
    %dma_start3A_169 = arith.constant 0 : i32
    %dma_start3A_170 = tpu.memref_slice %arg4[%add3A_166, %dma_start3A_169] : memref<4096x1024xf32, #tpu.memory_space<hbm>> -> memref<16x1024xf32, #tpu.memory_space<hbm>>
    tpu.enqueue_dma source(%arg8 : memref<16x1024xf32, #tpu.memory_space<vmem>>) target(%dma_start3A_170 : memref<16x1024xf32, #tpu.memory_space<hbm>>) target_semaphore(%arg16 : memref<!tpu.dma_semaphore, #tpu.memory_space<semaphore_mem>>)
    %dma_wait3A_171 = arith.constant 112 : i32
    %dma_wait3A_172 = tpu.memref_slice %arg5[%dma_wait3A_171] : memref<128xi32, #tpu.memory_space<vmem>> -> memref<16xi32, #tpu.memory_space<vmem>>
    %dma_wait3A_173 = arith.constant 0 : i32
    %dma_wait3A_174 = arith.constant 0 : i32
    %dma_wait3A_175 = tpu.memref_slice %arg3[%dma_wait3A_173, %dma_wait3A_174] : memref<100000x1024xf32, #tpu.memory_space<hbm>> -> memref<100000x1024xf32, #tpu.memory_space<hbm>>
    tpu.wait_indirect_dma semaphore(%arg13 : memref<!tpu.dma_semaphore, #tpu.memory_space<semaphore_mem>>) src(%dma_wait3A_175 : memref<100000x1024xf32, #tpu.memory_space<hbm>>) dst(%arg9 : memref<16x1024xf32, #tpu.memory_space<vmem>>)
    %add3A_176 = arith.constant 112 : i32
    %add3A_177 = arith.addi %mul3A_2, %add3A_176 : i32
    %dma_start3A_178 = arith.constant 0 : i32
    %dma_start3A_179 = tpu.memref_slice %arg4[%add3A_177, %dma_start3A_178] : memref<4096x1024xf32, #tpu.memory_space<hbm>> -> memref<16x1024xf32, #tpu.memory_space<hbm>>
    %dma_start3A_180 = arith.constant 0 : i32
    %dma_start3A_181 = tpu.memref_slice %arg4[%add3A_177, %dma_start3A_180] : memref<4096x1024xf32, #tpu.memory_space<hbm>> -> memref<16x1024xf32, #tpu.memory_space<hbm>>
    tpu.enqueue_dma source(%arg9 : memref<16x1024xf32, #tpu.memory_space<vmem>>) target(%dma_start3A_181 : memref<16x1024xf32, #tpu.memory_space<hbm>>) target_semaphore(%arg17 : memref<!tpu.dma_semaphore, #tpu.memory_space<semaphore_mem>>)
    %dma_wait3A_182 = arith.constant 0 : i32
    %dma_wait3A_183 = tpu.memref_slice %arg4[%add3A_144, %dma_wait3A_182] : memref<4096x1024xf32, #tpu.memory_space<hbm>> -> memref<16x1024xf32, #tpu.memory_space<hbm>>
    %dma_wait3A_184 = arith.constant 0 : i32
    %dma_wait3A_185 = tpu.memref_slice %arg4[%add3A_144, %dma_wait3A_184] : memref<4096x1024xf32, #tpu.memory_space<hbm>> -> memref<16x1024xf32, #tpu.memory_space<hbm>>
    tpu.wait_dma2 semaphore(%arg14 : memref<!tpu.dma_semaphore, #tpu.memory_space<semaphore_mem>>) src(%arg6 : memref<16x1024xf32, #tpu.memory_space<vmem>>) dst(%dma_wait3A_185 : memref<16x1024xf32, #tpu.memory_space<hbm>>)
    %dma_wait3A_186 = arith.constant 0 : i32
    %dma_wait3A_187 = tpu.memref_slice %arg4[%add3A_155, %dma_wait3A_186] : memref<4096x1024xf32, #tpu.memory_space<hbm>> -> memref<16x1024xf32, #tpu.memory_space<hbm>>
    %dma_wait3A_188 = arith.constant 0 : i32
    %dma_wait3A_189 = tpu.memref_slice %arg4[%add3A_155, %dma_wait3A_188] : memref<4096x1024xf32, #tpu.memory_space<hbm>> -> memref<16x1024xf32, #tpu.memory_space<hbm>>
    tpu.wait_dma2 semaphore(%arg15 : memref<!tpu.dma_semaphore, #tpu.memory_space<semaphore_mem>>) src(%arg7 : memref<16x1024xf32, #tpu.memory_space<vmem>>) dst(%dma_wait3A_189 : memref<16x1024xf32, #tpu.memory_space<hbm>>)
    %dma_wait3A_190 = arith.constant 0 : i32
    %dma_wait3A_191 = tpu.memref_slice %arg4[%add3A_166, %dma_wait3A_190] : memref<4096x1024xf32, #tpu.memory_space<hbm>> -> memref<16x1024xf32, #tpu.memory_space<hbm>>
    %dma_wait3A_192 = arith.constant 0 : i32
    %dma_wait3A_193 = tpu.memref_slice %arg4[%add3A_166, %dma_wait3A_192] : memref<4096x1024xf32, #tpu.memory_space<hbm>> -> memref<16x1024xf32, #tpu.memory_space<hbm>>
    tpu.wait_dma2 semaphore(%arg16 : memref<!tpu.dma_semaphore, #tpu.memory_space<semaphore_mem>>) src(%arg8 : memref<16x1024xf32, #tpu.memory_space<vmem>>) dst(%dma_wait3A_193 : memref<16x1024xf32, #tpu.memory_space<hbm>>)
    %dma_wait3A_194 = arith.constant 0 : i32
    %dma_wait3A_195 = tpu.memref_slice %arg4[%add3A_177, %dma_wait3A_194] : memref<4096x1024xf32, #tpu.memory_space<hbm>> -> memref<16x1024xf32, #tpu.memory_space<hbm>>
    %dma_wait3A_196 = arith.constant 0 : i32
    %dma_wait3A_197 = tpu.memref_slice %arg4[%add3A_177, %dma_wait3A_196] : memref<4096x1024xf32, #tpu.memory_space<hbm>> -> memref<16x1024xf32, #tpu.memory_space<hbm>>
    tpu.wait_dma2 semaphore(%arg17 : memref<!tpu.dma_semaphore, #tpu.memory_space<semaphore_mem>>) src(%arg9 : memref<16x1024xf32, #tpu.memory_space<vmem>>) dst(%dma_wait3A_197 : memref<16x1024xf32, #tpu.memory_space<hbm>>)
    return
  }
}

module attributes {stable_mosaic.version = 14 : i64} {
  func.func @_add_body(%arg0: i32, %arg1: i32, %arg2: memref<4xi32, #tpu.memory_space<smem>>, %arg3: memref<512x1024xf32, #tpu.memory_space<vmem>>, %arg4: memref<512x1024xf32, #tpu.memory_space<vmem>>, %arg5: memref<16x1024xf32, #tpu.memory_space<vmem>>, %arg6: memref<512x1024xf32, #tpu.memory_space<vmem>>) attributes {dimension_semantics = [#tpu.dimension_semantics<arbitrary>, #tpu.dimension_semantics<arbitrary>], iteration_bounds = array<i64: 2, 4>, scalar_prefetch = 1 : i64, scratch_operands = 0 : i64, tpu.core_type = #tpu.core_type<tc>, window_params = [{transform_indices = @transform_0, window_bounds = array<i64: 512, 1024>}, {transform_indices = @transform_1, window_bounds = array<i64: 512, 1024>}, {pipeline_mode = #tpu.pipeline_mode<synchronous>, transform_indices = @transform_2, window_bounds = array<i64: 16, 1024>}, {transform_indices = @transform_3, window_bounds = array<i64: 512, 1024>}]} {
    %get3A = arith.index_cast %arg1 : i32 to index
    %get3A_0 = memref.load %arg2[%get3A] : memref<4xi32, #tpu.memory_space<smem>>
    %get3A_1 = arith.index_cast %get3A_0 : i32 to index
    %get3A_2 = arith.constant 0 : index
    %get3A_3 = vector.load %arg5[%get3A_1, %get3A_2] : memref<16x1024xf32, #tpu.memory_space<vmem>>, vector<1x1024xf32>
    %get3A_4 = arith.constant 0 : index
    %get3A_5 = arith.constant 0 : index
    %get3A_6 = vector.load %arg3[%get3A_4, %get3A_5] : memref<512x1024xf32, #tpu.memory_space<vmem>>, vector<512x1024xf32>
    %get3A_7 = arith.constant 0 : index
    %get3A_8 = arith.constant 0 : index
    %get3A_9 = vector.load %arg4[%get3A_7, %get3A_8] : memref<512x1024xf32, #tpu.memory_space<vmem>>, vector<512x1024xf32>
    %add3A = arith.addf %get3A_6, %get3A_9 : vector<512x1024xf32>
    %add3A_10 = vector.broadcast %get3A_3 : vector<1x1024xf32> to vector<512x1024xf32>
    %add3A_11 = arith.addf %add3A, %add3A_10 : vector<512x1024xf32>
    %swap3A = arith.constant 0 : index
    %swap3A_12 = arith.constant 0 : index
    %swap3A_13 = vector.load %arg6[%swap3A, %swap3A_12] : memref<512x1024xf32, #tpu.memory_space<vmem>>, vector<512x1024xf32>
    tpu.vector_store %arg6[%swap3A, %swap3A_12], %add3A_11 {strides = array<i32>} : memref<512x1024xf32, #tpu.memory_space<vmem>>, vector<512x1024xf32>,
    return
  }
  func.func @transform_0(%arg0: i32, %arg1: i32, %arg2: memref<4xi32, #tpu.memory_space<smem>>) -> (i32, i32) {
    %mul3A = arith.constant 2 : i32
    %mul3A_0 = arith.muli %arg1, %mul3A : i32
    %add3A = arith.addi %mul3A_0, %arg0 : i32
    %c0_i32 = arith.constant 0 : i32
    %c0_i32_1 = arith.constant 0 : i32
    return %add3A, %c0_i32 : i32, i32
  }
  func.func @transform_1(%arg0: i32, %arg1: i32, %arg2: memref<4xi32, #tpu.memory_space<smem>>) -> (i32, i32) {
    %add3A = arith.constant 0 : i32
    %add3A_0 = arith.addi %add3A, %arg0 : i32
    %c0_i32 = arith.constant 0 : i32
    %c0_i32_1 = arith.constant 0 : i32
    return %add3A_0, %c0_i32 : i32, i32
  }
  func.func @transform_2(%arg0: i32, %arg1: i32, %arg2: memref<4xi32, #tpu.memory_space<smem>>) -> (i32, i32) {
    %c0_i32 = arith.constant 0 : i32
    %c0_i32_0 = arith.constant 0 : i32
    %c0_i32_1 = arith.constant 0 : i32
    return %c0_i32, %c0_i32_0 : i32, i32
  }
  func.func @transform_3(%arg0: i32, %arg1: i32, %arg2: memref<4xi32, #tpu.memory_space<smem>>) -> (i32, i32) {
    %mul3A = arith.constant 4 : i32
    %mul3A_0 = arith.muli %arg1, %mul3A : i32
    %add3A = arith.constant 0 : i32
    %add3A_1 = arith.addi %mul3A_0, %add3A : i32
    %add3A_2 = arith.addi %add3A_1, %arg0 : i32
    %c0_i32 = arith.constant 0 : i32
    %c0_i32_3 = arith.constant 0 : i32
    return %add3A_2, %c0_i32 : i32, i32
  }
}

module attributes {stable_mosaic.version = 14 : i64} {
  func.func @_add_body(%arg0: i32, %arg1: i32, %arg2: memref<4xi32, #tpu.memory_space<smem>>, %arg3: memref<8192x1024xf32, #tpu.memory_space<any>>, %arg4: memref<512x1024xf32, #tpu.memory_space<vmem>>, %arg5: memref<512x1024xf32, #tpu.memory_space<vmem>>, %arg6: memref<16x1024xf32, #tpu.memory_space<vmem>>, %arg7: memref<512x1024xf32, #tpu.memory_space<vmem>>) attributes {dimension_semantics = [#tpu.dimension_semantics<arbitrary>, #tpu.dimension_semantics<arbitrary>], iteration_bounds = array<i64: 2, 4>, scalar_prefetch = 1 : i64, scratch_operands = 0 : i64, tpu.core_type = #tpu.core_type<tc>, window_params = [{}, {transform_indices = @transform_1, window_bounds = array<i64: 512, 1024>}, {transform_indices = @transform_2, window_bounds = array<i64: 512, 1024>}, {pipeline_mode = #tpu.pipeline_mode<synchronous>, transform_indices = @transform_3, window_bounds = array<i64: 16, 1024>}, {transform_indices = @transform_4, window_bounds = array<i64: 512, 1024>}]} {
    %get3A = arith.index_cast %arg1 : i32 to index
    %get3A_0 = memref.load %arg2[%get3A] : memref<4xi32, #tpu.memory_space<smem>>
    %get3A_1 = arith.index_cast %get3A_0 : i32 to index
    %get3A_2 = arith.constant 0 : index
    %get3A_3 = vector.load %arg6[%get3A_1, %get3A_2] : memref<16x1024xf32, #tpu.memory_space<vmem>>, vector<1x1024xf32>
    %get3A_4 = arith.constant 0 : index
    %get3A_5 = arith.constant 0 : index
    %get3A_6 = vector.load %arg4[%get3A_4, %get3A_5] : memref<512x1024xf32, #tpu.memory_space<vmem>>, vector<512x1024xf32>
    %get3A_7 = arith.constant 0 : index
    %get3A_8 = arith.constant 0 : index
    %get3A_9 = vector.load %arg5[%get3A_7, %get3A_8] : memref<512x1024xf32, #tpu.memory_space<vmem>>, vector<512x1024xf32>
    %add3A = arith.addf %get3A_6, %get3A_9 : vector<512x1024xf32>
    %add3A_10 = vector.broadcast %get3A_3 : vector<1x1024xf32> to vector<512x1024xf32>
    %add3A_11 = arith.addf %add3A, %add3A_10 : vector<512x1024xf32>
    %swap3A = arith.constant 0 : index
    %swap3A_12 = arith.constant 0 : index
    %swap3A_13 = vector.load %arg7[%swap3A, %swap3A_12] : memref<512x1024xf32, #tpu.memory_space<vmem>>, vector<512x1024xf32>
    tpu.vector_store %arg7[%swap3A, %swap3A_12], %add3A_11 {strides = array<i32>} : memref<512x1024xf32, #tpu.memory_space<vmem>>, vector<512x1024xf32>,
    return
  }
  func.func @transform_1(%arg0: i32, %arg1: i32, %arg2: memref<4xi32, #tpu.memory_space<smem>>) -> (i32, i32) {
    %mul3A = arith.constant 2 : i32
    %mul3A_0 = arith.muli %arg1, %mul3A : i32
    %add3A = arith.addi %mul3A_0, %arg0 : i32
    %c0_i32 = arith.constant 0 : i32
    %c0_i32_1 = arith.constant 0 : i32
    return %add3A, %c0_i32 : i32, i32
  }
  func.func @transform_2(%arg0: i32, %arg1: i32, %arg2: memref<4xi32, #tpu.memory_space<smem>>) -> (i32, i32) {
    %add3A = arith.constant 2 : i32
    %add3A_0 = arith.addi %add3A, %arg0 : i32
    %c0_i32 = arith.constant 0 : i32
    %c0_i32_1 = arith.constant 0 : i32
    return %add3A_0, %c0_i32 : i32, i32
  }
  func.func @transform_3(%arg0: i32, %arg1: i32, %arg2: memref<4xi32, #tpu.memory_space<smem>>) -> (i32, i32) {
    %c0_i32 = arith.constant 0 : i32
    %c0_i32_0 = arith.constant 0 : i32
    %c0_i32_1 = arith.constant 0 : i32
    return %c0_i32, %c0_i32_0 : i32, i32
  }
  func.func @transform_4(%arg0: i32, %arg1: i32, %arg2: memref<4xi32, #tpu.memory_space<smem>>) -> (i32, i32) {
    %mul3A = arith.constant 4 : i32
    %mul3A_0 = arith.muli %arg1, %mul3A : i32
    %add3A = arith.constant 2 : i32
    %add3A_1 = arith.addi %mul3A_0, %add3A : i32
    %add3A_2 = arith.addi %add3A_1, %arg0 : i32
    %c0_i32 = arith.constant 0 : i32
    %c0_i32_3 = arith.constant 0 : i32
    return %add3A_2, %c0_i32 : i32, i32
  }
}

</mosaic_0001>

<sc_bundles>
// kernel: kernel.6.cloned.1.call-start
scs
__scs_entry_jumppad:
0x0: {  	(pc) =	sbr.rel $0x88, $3  }
0x1: {  	(tag) =	ssettag $0x0;
	lr =	simm.s32 $0x1  }
0x2: {  	[smem:$0x3F9C] =	sst lr;
	_ =	strace $0xD0000000  }
0x3: {  	_ = 	snop  }
0x4: {  	_ = 	snop  }
0x5: {  	_ = 	snop  }
0x6: {  	_ = 	snop  }
0x7: {  	_ = 	snop  }
__scs_overlays_trampoline_lowered:
0x8: {  	[smem:$0x3FAB] =	sst s0  }
0x9: {  	[smem:$0x3FAC] =	sst s1  }
0xa: {  	[smem:$0x3FAD] =	sst s2  }
0xb: {  	[smem:$0x3FAE] =	sst s3  }
0xc: {  	[smem:$0x3FAF] =	sst s4  }
0xd: {  	[smem:$0x3FB0] =	sst s5  }
0xe: {  	[smem:$0x3FB1] =	sst s6  }
0xf: {  	[smem:$0x3FB2] =	sst s7  }
0x10: {  	[smem:$0x3FB3] =	sst s8  }
0x11: {  	[smem:$0x3FB4] =	sst s9;
	s0 =	simm.s32 @!p0 $0x0  }
0x12: {  	s1 =	sld [smem:$0x3F9A];
	s0 =	simm.s32 @p0 $0x1  }
0x13: {  	[smem:$0x3FB5] =	sst s0;
	s0 =	simm.s32 @!p1 $0x0  }
0x14: {  	s2 =	sld [smem:$0x3F99];
	s0 =	simm.s32 @p1 $0x1  }
0x15: {  	[smem:$0x3FB6] =	sst s0;
	s0 =	simm.s32 @!p2 $0x0  }
0x16: {  	s3 =	sld [smem:$0x3FDB];
	s0 =	simm.s32 @p2 $0x1  }
0x17: {  	s4 =	simm.s32 $0x1BF5;
	[smem:$0x3FB8] =	sst s0  }
0x18: {  	s0 =	sld [smem:$0x3F9B];
	_ =	swait.ge [sflag:s4], $0x0  }
0x19: {  	s7 =	sld [smem:$0x3F9C]  }
0x1a: {  	s8 =	sadd.s32 $0xFFFFE003, lr  }
0x1b: {  	s9 =	sadd.s32 $0xFFFFFEF7, lr;
	s5 =	simm.s32 $0xFFFFFFFF;
	p2 =	slt.u32 s8, $0xFFFFF086  }
0x1c: {  	p1 =	slt.u32 s9, $0xF7A;
	s5 =	simm.s32 @!p2 $0x0  }
0x1d: {  	s5 =	simm.s32 @p1 $0x1;
	p0 =	seq.s32 s7, s2  }
0x1e: {  	s7 =	smul.u32 @!p0 $0xF7A, s2;
	p2 =	seq.s32 @!p0 s5, $0x0  }
0x1f: {  	s9 =	smul.u32 $0xF7A, s1;
	s8 =	simm.s32 @!p0 $0x1BF5;
	p2 =	por !p2, p0  }
0x20: {  	[sflag:s8] =	ssyncset.s32 @!p0 $0xFFFFF086;
	s6 =	sadd.s32 @!p0 s3, s7;
	s7 =	simm.s32 @!p0 $0x108  }
0x21: {  	s3 =	sadd.s32 s3, s9;
	s6 =	sadd.s32 @!p0 $0x88, s6;
	s7 =	simm.s32 @p2 $0x1082  }
0x22: {  	[simem:s7], [sflag:s8] =	dma.local @!p0 [hbm:s6], $0xF7A  }
0x23: {  	s9 =	sor.u32 $0xD0000000, s2;
	s6 =	simm.s32 $0x108;
	_ =	swait.ge @!p0 [sflag:s8], $0x0  }
0x24: {  	s3 =	sadd.s32 $0x88, s3;
	s6 =	simm.s32 @!p1 $0x1082;
	[sflag:s4] =	ssyncset.s32 $0xFFFFF086  }
0x25: {  	[simem:s6], [sflag:s4] =	dma.local [hbm:s3], $0xF7A  }
0x26: {  	[smem:$0x3F9C] =	sst s1;
	(tag) =	ssettag s2;
	_ =	strace s9  }
0x27: {  	s1 =	sld [smem:$0x3FAC]  }
0x28: {  	s2 =	sld [smem:$0x3FAD]  }
0x29: {  	s4 =	sld [smem:$0x3FAF]  }
0x2a: {  	p0 =	seq.s32 s5, $0x0;
	s5 =	sld [smem:$0x3FB0]  }
0x2b: {  	s6 =	sld [smem:$0x3FB1]  }
0x2c: {  	s7 =	sld [smem:$0x3FB2]  }
0x2d: {  	s3 =	simm.s32 $0x108;
	s8 =	sld [smem:$0x3FB3]  }
0x2e: {  	s3 =	simm.s32 @!p0 $0x1082;
	s9 =	sld [smem:$0x3FB4]  }
0x2f: {  	lr =	sadd.s32 s0, s3;
	s0 =	sld [smem:$0x3FAB]  }
0x30: {  	s3 =	sld [smem:$0x3FAE]  }
0x31: {  	[smem:$0x3FB7] =	sst s10  }
0x32: {  	s10 =	sld [smem:$0x3FB5];
	_ =	sdelay $0x3  }
0x33: {  	p0 =	seq.s32 s10, $0x1;
	s10 =	sld [smem:$0x3FB7];
	_ =	sdelay $0x3  }
0x34: {  	[smem:$0x3FB7] =	sst s10  }
0x35: {  	s10 =	sld [smem:$0x3FB6];
	_ =	sdelay $0x3  }
0x36: {  	p1 =	seq.s32 s10, $0x1;
	s10 =	sld [smem:$0x3FB7];
	_ =	sdelay $0x3  }
0x37: {  	[smem:$0x3FB7] =	sst s10  }
0x38: {  	s10 =	sld [smem:$0x3FB8]  }
0x39: {  	_ = 	snop;
	(pc) =	sbr.ind lr, $3  }
0x3a: {  	_ = 	snop  }
0x3b: {  	_ = 	snop  }
0x3c: {  	p2 =	seq.s32 s10, $0x1;
	s10 =	sld [smem:$0x3FB7]  }
0x3d: {  	_ =	shalt  }
0x3e: {  	_ =	shalt  }
0x3f: {  	_ =	shalt  }
0x40: {  	_ =	shalt  }
0x41: {  	_ =	shalt  }
0x42: {  	_ =	shalt  }
0x43: {  	_ =	shalt  }
0x44: {  	_ =	shalt  }
0x45: {  	_ =	shalt  }
0x46: {  	_ =	shalt  }
0x47: {  	_ =	shalt  }
0x48: {  	_ =	shalt  }
0x49: {  	_ =	shalt  }
0x4a: {  	_ =	shalt  }
0x4b: {  	_ =	shalt  }
0x4c: {  	_ =	shalt  }
0x4d: {  	_ =	shalt  }
0x4e: {  	_ =	shalt  }
0x4f: {  	_ =	shalt  }
0x50: {  	_ =	shalt  }
0x51: {  	_ =	shalt  }
0x52: {  	_ =	shalt  }
0x53: {  	_ =	shalt  }
0x54: {  	_ =	shalt  }
0x55: {  	_ =	shalt  }
0x56: {  	_ =	shalt  }
0x57: {  	_ =	shalt  }
0x58: {  	_ =	shalt  }
0x59: {  	_ =	shalt  }
0x5a: {  	_ =	shalt  }
0x5b: {  	_ =	shalt  }
0x5c: {  	_ =	shalt  }
0x5d: {  	_ =	shalt  }
0x5e: {  	_ =	shalt  }
0x5f: {  	_ =	shalt  }
0x60: {  	_ =	shalt  }
0x61: {  	_ =	shalt  }
0x62: {  	_ =	shalt  }
0x63: {  	_ =	shalt  }
0x64: {  	_ =	shalt  }
0x65: {  	_ =	shalt  }
0x66: {  	_ =	shalt  }
0x67: {  	_ =	shalt  }
0x68: {  	_ =	shalt  }
0x69: {  	_ =	shalt  }
0x6a: {  	_ =	shalt  }
0x6b: {  	_ =	shalt  }
0x6c: {  	_ =	shalt  }
0x6d: {  	_ =	shalt  }
0x6e: {  	_ =	shalt  }
0x6f: {  	_ =	shalt  }
0x70: {  	_ =	shalt  }
0x71: {  	_ =	shalt  }
0x72: {  	_ =	shalt  }
0x73: {  	_ =	shalt  }
0x74: {  	_ =	shalt  }
0x75: {  	_ =	shalt  }
0x76: {  	_ =	shalt  }
0x77: {  	_ =	shalt  }
0x78: {  	_ =	shalt  }
0x79: {  	_ =	shalt  }
0x7a: {  	_ =	shalt  }
0x7b: {  	_ =	shalt  }
0x7c: {  	_ =	shalt  }
0x7d: {  	_ =	shalt  }
0x7e: {  	_ =	shalt  }
0x7f: {  	_ =	shalt  }
0x80: {  	_ =	shalt  }
0x81: {  	_ =	shalt  }
0x82: {  	_ =	shalt  }
0x83: {  	_ =	shalt  }
0x84: {  	_ =	shalt  }
0x85: {  	_ =	shalt  }
0x86: {  	_ =	shalt  }
0x87: {  	_ =	shalt  }
.Lfunc_end0:
.L_simem_size_0:
called_computation_lowered:
.L_overlay_start_0:
0x88: {  	s2 =	sld [smem:$0x3FD9]  }
0x89: {  	s3 =	sld [smem:$0x3FFE];
	_ =	sdelay $0x1  }
0x8a: {  	s1 =	srdreg.scid  }
0x8b: {  	s0 =	sand.u32 $0x1, s1  }
0x8c: {  	s17 =	sshll.u32 s0, $0xA;
	s2 =	sadd.s32 s3, s2  }
0x8d: {  	s2 =	sadd.s32 s2, s17  }
0x8e: {  	[smem:$0x3FC3] =	sst s2  }
0x8f: {  	_ = 	snop  }
0x90: {  	s2 =	sld [smem:$0x3FC7];
	(tm) =	ssettm $0x1  }
0x91: {  	s18 =	sld [smem:$0x3FFB];
	_ =	sdelay $0x3  }
0x92: {  	_ =	strace s18  }
0x93: {  	s3 =	sld [smem:$0x3FFC];
	_ =	sdelay $0x3  }
0x94: {  	_ =	strace s3  }
0x95: {  	s3 =	sld [smem:$0x3FFD];
	_ =	sdelay $0x3  }
0x96: {  	_ =	strace s3  }
0x97: {  	_ =	strace $0x8FFFFFFF  }
0x98: {  	s19 =	sld [smem:$0x3FDB];
	_ =	sdelay $0x1  }
0x99: {  	s4 =	simm.s32 $_scs_section_size  }
0x9a: {  	s5 =	simm.s32 $_size__tile_overlayer_lowered;
	s6 =	simm.s32 $_tile_overlayer_lowered  }
0x9b: {  	s22 =	simm.s32 $0x1BFF;
	s21 =	sshll.u32 s6, $0x1;
	s3 =	sadd.s32 s4, s19  }
0x9c: {  	s7 =	simm.s32 $0x0;
	s20 =	sshll.u32 s5, $0x1;
	s5 =	sadd.s32 s21, s3  }
0x9d: {  	[timem:s7], [sflag:s22] =	dma.local [hbm:s5], s20  }
0x9e: {  	_ =	swait.ge [sflag:s22], s20  }
0x9f: {  	s4 =	ssub.s32 $0x0, s20;
	[sflag:s22] =	ssyncset.done $0x0  }
0xa0: {  	[sflag:s22] =	ssyncadd.s32 s4;
	_ =	sdelay $0x1  }
0xa1: {  	s23 =	simm.s32 $0x1B8B  }
0xa2: {  	_ =	swait.ge [sflag:s23], $0x1  }
0xa3: {  	[sflag:s23] =	ssyncset.done $0x0  }
0xa4: {  	s25 =	simm.s32 $0x1B8E;
	s24 =	sld [smem:$0x3FFE];
	[sflag:s23] =	ssyncadd.s32 $0xFFFFFFFF  }
0xa5: {  	s26 =	simm.s32 $execute0_lowered;
	[smem:$0x3FD2] =	sst s25  }
0xa6: {  	s5 =	sshll.u32 s26, $0x1;
	_ =	strace $0x80000046;
	[dreg:$0x1] =	wrdreg $0xFFFFFFFF  }
0xa7: {  	s28 =	simm.s32 $_size_execute0_lowered;
	s3 =	sadd.s32 s3, s5;
	[dreg:$0x0] =	wrdreg $0x0  }
0xa8: {  	s5 =	sshll.u32 s28, $0x1;
	[dreg:$0x2] =	wrdreg s3  }
0xa9: {  	[dreg:$0x3] =	wrdreg s5  }
0xaa: {  	[dreg:$0x4] =	wrdreg $0xC0  }
0xab: {  	_ =	task [dreg:s7], $0x5FFFF  }
0xac: {  	[dreg:$0x1] =	wrdreg $0xFFFFFFFF  }
0xad: {  	[dreg:$0x0] =	wrdreg $0x60  }
0xae: {  	[dreg:$0x2] =	wrdreg s24  }
0xaf: {  	[dreg:$0x3] =	wrdreg s2  }
0xb0: {  	[dreg:$0x4] =	wrdreg $0x9  }
0xb1: {  	_ =	task.clear_ibuf [dreg:s7], $0x5FFFF;
	_ =	strace $0x90000046  }
0xb2: {  	s29 =	simm.s32 $0x9;
	_ =	strace $0x80000048  }
0xb3: {  	_ =	swait.ge [sflag:s29], $0x1  }
0xb4: {  	[sflag:s29] =	ssyncadd.s32 $0xFFFFFFFF  }
0xb5: {  	_ =	strace $0x90000048  }
0xb6: {  	_ =	sfence  }
0xb7: {  	s30 =	sld [smem:$0x0];
	_ =	sdelay $0x2  }
0xb8: {  	s31 =	sshll.u32 s1, $0xD;
	s1 =	sshrl.u32 s1, $0x2  }
0xb9: {  	s3 =	sand.u32 $0x4000, s31;
	s1 =	sadd.s32 s1, s30  }
0xba: {  	s0 =	sor.u32 s3, s0;
	s1 =	sshll.u32 s1, $0x11  }
0xbb: {  	s0 =	sor.u32 s1, s0  }
0xbc: {  	s0 =	sadd.s32 $0x8F2B, s0  }
0xbd: {  	[sflag:s0] =	ssyncadd.remote.s32 $0x1  }
0xbe: {  	_ =	sfence.sel $0xFFFF  }
0xbf: {  	[dreg:$0x0] =	wrdreg $0xFFFFFFFF;
	(pc) =	sbr.abs _section_cstart, $3  }
0xc0: {  	[dreg:$0x1] =	wrdreg $0xFFFFFFFF  }
0xc1: {  	_ =	task.clear_ibuf [dreg:s7], $0x2FFFF;
	_ =	strace $0x9FFFFFFF  }
0xc2: {  	(tm) =	ssettm $0x7FFFFFFF  }
0xc3: {  	_ =	shalt  }
tec
execute0_lowered:
.L_overlay_start_1:
0x0: {  	(tag) =	ssettag $0x1  }
0x1: {  	s4 =	stileid.u32  }
0x2: {  	s0 =	srdreg.scid;
	s1 =	rddreg [dreg:$0x0]  }
0x3: {  	s2 =	rddreg [dreg:$0x1];
	s17 =	simm.s32 $0x80;
	s30 =	simm.s32 $0x880  }
0x4: {  	s31 =	simm.s32 $0x1080;
	s12 =	simm.s32 $0x3080;
	s13 =	simm.s32 $0x3880  }
0x5: {  	s14 =	simm.s32 $0x4880;
	s15 =	simm.s32 $0x5080;
	s16 =	simm.s32 $0x5880  }
0x6: {  	s18 =	simm.s32 $0x6080;
	s19 =	simm.s32 $0x8080;
	s28 =	simm.s32 $0xC080  }
0x7: {  	s0 =	sand.u32 $0x1, s0;
	s3 =	sshll.u32 s4, $0x1;
	s4 =	sshll.u32 s4, $0x6  }
0x8: {  	s5 =	sor.u32 s0, s3;
	s4 =	sand.u32 $0x300, s4;
	s3 =	simm.s32 $0x0  }
0x9: {  	s0 =	ssub.s32 $0x2, s0;
	s6 =	sshll.u32 s5, $0x4;
	s5 =	sshll.u32 s5, $0xE  }
0xa: {  	s4 =	sadd.s32 s4, s1;
	[smem:$0x7FF] =	sst s3;
	s1 =	sadd.s32 s5, s1  }
0xb: {  	s25 =	sshrl.u32 s0, $0x1;
	s6 =	sand.u32 $0x70, s6;
	s20 =	sadd.s32 $0x1200, s1  }
0xc: {  	_ =	strace $0x80000047;
	s21 =	sadd.s32 $0x1A00, s1;
	[dreg:$0x4] =	wrdreg s20  }
0xd: {  	s0 =	ssub.s32 s0, s25;
	s22 =	sadd.s32 $0x2200, s1;
	[dreg:$0x5] =	wrdreg s21  }
0xe: {  	s5 =	sadd.s32 $0x200, s2;
	s23 =	sadd.s32 $0x2A00, s1;
	[dreg:$0x6] =	wrdreg s22  }
0xf: {  	s25 =	simm.s32 $0x4080;
	s24 =	sadd.s32 $0x3200, s1;
	[dreg:$0x7] =	wrdreg s23  }
0x10: {  	s4 =	sadd.s32 s6, s4;
	s26 =	sadd.s32 $0x3A00, s1;
	[dreg:$0x8] =	wrdreg s24  }
0x11: {  	s29 =	sadd.s32 $0x4200, s1;
	s1 =	sadd.s32 $0x4A00, s1;
	[dreg:$0x9] =	wrdreg s26  }
0x12: {  	s6 =	sadd.s32 $0x300, s2;
	s7 =	smax.u32 s0, $0x1;
	[dreg:$0xa] =	wrdreg s29  }
0x13: {  	v2 =	vlaneseq.u32;
	s4 =	sadd.s32 $0xE00, s4;
	[dreg:$0xb] =	wrdreg s1;
	s22 =	simm.s32 $0x8  }
0x14: {  	vm0 =	vmmov $0xffff;
	v1 =	vshrl.u32 v2, $0x3;
	s23 =	simm.s32 $0xA080;
	s24 =	simm.s32 $0xA880;
	s26 =	simm.s32 $0xB080  }
0x15: {  	v0 =	vand.u32 $0x7, v2;
	v2 =	vor.u32 $0x8, v2;
	v1 =	vmul.u32 $0x8, v1;
	s21 =	simm.s32 $0x5;
	[dreg:$0x3] =	wrdreg s4;
	s4 =	sadd.s32 $0x100, s2  }
.LBB2_1:
0x16: {  	s29 =	rddreg [dreg:$0x3];
	s0 =	simm.s32 $0x9  }
0x17: {  	[tilespmem:s3], [sflag:$0x9] =	stream.linear.gather [hbm4b:s29+s3], $0x80, $0x38;
	[tilespmem:$0x10080] =	vst v63  }
0x18: {  	_ =	swait.ge [sflag:s0], $0x80  }
0x19: {  	[sflag:s0] =	ssyncset.done $0x0  }
0x1a: {  	[sflag:s0] =	ssyncadd.s32 $0xFFFFFF80  }
0x1b: {  	v3 =	vld [tilespmem:$0x0];
	_ =	sdelay $0x4  }
0x1c: {  	v4 =	vshll.u32 v3, $0x3  }
0x1d: {  	v3 =	vand.u32 $0x7, v3;
	v4 =	vand.u32 $0xFFFFFFC0, v4  }
0x1e: {  	v3 =	vor.u32 v3, v4  }
0x1f: {  	v4 =	vperm.xlane v3, v0;
	_ =	sdelay $0x1  }
0x20: {  	v4 =	vadd.s32 v1, v4;
	_ =	sdelay $0x4  }
0x21: {  	[tilespmem:s17], [sflag:$0x1] =	stream.indirect_vreg.gather [hbm4b:s2+s3], $0x80, v4, vm0, $0xb8;
	[tilespmem:$0x10080] =	vst v63  }
0x22: {  	v3 =	vperm.xlane v3, v2  }
0x23: {  	[tilespmem:s30], [sflag:$0x1] =	stream.indirect_vreg.gather [hbm4b:s4+s3], $0x80, v4, vm0, $0xb8;
	[tilespmem:$0x10080] =	vst v63  }
0x24: {  	v3 =	vadd.s32 v1, v3  }
0x25: {  	[tilespmem:s31], [sflag:$0x1] =	stream.indirect_vreg.gather [hbm4b:s5+s3], $0x80, v4, vm0, $0xb8;
	[tilespmem:$0x10080] =	vst v63  }
0x26: {  	s1 =	simm.s32 $0x1880  }
0x27: {  	[tilespmem:s1], [sflag:$0x1] =	stream.indirect_vreg.gather [hbm4b:s6+s3], $0x80, v4, vm0, $0xb8;
	[tilespmem:$0x10080] =	vst v63  }
0x28: {  	s0 =	simm.s32 $0x2080  }
0x29: {  	[tilespmem:s0], [sflag:$0x1] =	stream.indirect_vreg.gather [hbm4b:s2+s3], $0x80, v3, vm0, $0xb8;
	[tilespmem:$0x10080] =	vst v63  }
0x2a: {  	s11 =	simm.s32 $0x2880  }
0x2b: {  	[tilespmem:s11], [sflag:$0x1] =	stream.indirect_vreg.gather [hbm4b:s4+s3], $0x80, v3, vm0, $0xb8;
	[tilespmem:$0x10080] =	vst v63  }
0x2c: {  	_ = 	snop  }
0x2d: {  	[tilespmem:s12], [sflag:$0x1] =	stream.indirect_vreg.gather [hbm4b:s5+s3], $0x80, v3, vm0, $0xb8;
	[tilespmem:$0x10080] =	vst v63  }
0x2e: {  	_ = 	snop  }
0x2f: {  	[tilespmem:s13], [sflag:$0x1] =	stream.indirect_vreg.gather [hbm4b:s6+s3], $0x80, v3, vm0, $0xb8;
	[tilespmem:$0x10080] =	vst v63  }
0x30: {  	v3 =	vld [tilespmem:$0x10];
	_ =	sdelay $0x4  }
0x31: {  	v57 =	vshll.u32 v3, $0x3  }
0x32: {  	v3 =	vand.u32 $0x7, v3;
	v4 =	vand.u32 $0xFFFFFFC0, v57  }
0x33: {  	v3 =	vor.u32 v3, v4  }
0x34: {  	v4 =	vperm.xlane v3, v0;
	_ =	sdelay $0x1  }
0x35: {  	v4 =	vadd.s32 v1, v4;
	_ =	sdelay $0x4  }
0x36: {  	[tilespmem:s25], [sflag:$0x2] =	stream.indirect_vreg.gather [hbm4b:s2+s3], $0x80, v4, vm0, $0xb8;
	[tilespmem:$0x10080] =	vst v63  }
0x37: {  	v3 =	vperm.xlane v3, v2  }
0x38: {  	[tilespmem:s14], [sflag:$0x2] =	stream.indirect_vreg.gather [hbm4b:s4+s3], $0x80, v4, vm0, $0xb8;
	[tilespmem:$0x10080] =	vst v63  }
0x39: {  	v3 =	vadd.s32 v1, v3  }
0x3a: {  	[tilespmem:s15], [sflag:$0x2] =	stream.indirect_vreg.gather [hbm4b:s5+s3], $0x80, v4, vm0, $0xb8;
	[tilespmem:$0x10080] =	vst v63  }
0x3b: {  	_ = 	snop  }
0x3c: {  	[tilespmem:s16], [sflag:$0x2] =	stream.indirect_vreg.gather [hbm4b:s6+s3], $0x80, v4, vm0, $0xb8;
	[tilespmem:$0x10080] =	vst v63  }
0x3d: {  	_ = 	snop  }
0x3e: {  	[tilespmem:s18], [sflag:$0x2] =	stream.indirect_vreg.gather [hbm4b:s2+s3], $0x80, v3, vm0, $0xb8;
	[tilespmem:$0x10080] =	vst v63  }
0x3f: {  	s8 =	simm.s32 $0x6880  }
0x40: {  	[tilespmem:s8], [sflag:$0x2] =	stream.indirect_vreg.gather [hbm4b:s4+s3], $0x80, v3, vm0, $0xb8;
	[tilespmem:$0x10080] =	vst v63  }
0x41: {  	s9 =	simm.s32 $0x7080  }
0x42: {  	[tilespmem:s9], [sflag:$0x2] =	stream.indirect_vreg.gather [hbm4b:s5+s3], $0x80, v3, vm0, $0xb8;
	[tilespmem:$0x10080] =	vst v63  }
0x43: {  	s10 =	simm.s32 $0x7880  }
0x44: {  	[tilespmem:s10], [sflag:$0x2] =	stream.indirect_vreg.gather [hbm4b:s6+s3], $0x80, v3, vm0, $0xb8;
	[tilespmem:$0x10080] =	vst v63  }
0x45: {  	v3 =	vld [tilespmem:$0x20];
	_ =	sdelay $0x4  }
0x46: {  	v58 =	vshll.u32 v3, $0x3  }
0x47: {  	v3 =	vand.u32 $0x7, v3;
	v4 =	vand.u32 $0xFFFFFFC0, v58  }
0x48: {  	v3 =	vor.u32 v3, v4  }
0x49: {  	v4 =	vperm.xlane v3, v0;
	_ =	sdelay $0x1  }
0x4a: {  	v4 =	vadd.s32 v1, v4;
	_ =	sdelay $0x4  }
0x4b: {  	[tilespmem:s19], [sflag:$0x3] =	stream.indirect_vreg.gather [hbm4b:s2+s3], $0x80, v4, vm0, $0xb8;
	[tilespmem:$0x10080] =	vst v63  }
0x4c: {  	s20 =	simm.s32 $0x8880;
	v3 =	vperm.xlane v3, v2  }
0x4d: {  	[tilespmem:s20], [sflag:$0x3] =	stream.indirect_vreg.gather [hbm4b:s4+s3], $0x80, v4, vm0, $0xb8;
	[tilespmem:$0x10080] =	vst v63  }
0x4e: {  	s29 =	simm.s32 $0x9080;
	v3 =	vadd.s32 v1, v3  }
0x4f: {  	[tilespmem:s29], [sflag:$0x3] =	stream.indirect_vreg.gather [hbm4b:s5+s3], $0x80, v4, vm0, $0xb8;
	[tilespmem:$0x10080] =	vst v63  }
0x50: {  	s29 =	simm.s32 $0x9880  }
0x51: {  	[tilespmem:s29], [sflag:$0x3] =	stream.indirect_vreg.gather [hbm4b:s6+s3], $0x80, v4, vm0, $0xb8;
	[tilespmem:$0x10080] =	vst v63  }
0x52: {  	_ = 	snop  }
0x53: {  	[tilespmem:s23], [sflag:$0x3] =	stream.indirect_vreg.gather [hbm4b:s2+s3], $0x80, v3, vm0, $0xb8;
	[tilespmem:$0x10080] =	vst v63  }
0x54: {  	_ = 	snop  }
0x55: {  	[tilespmem:s24], [sflag:$0x3] =	stream.indirect_vreg.gather [hbm4b:s4+s3], $0x80, v3, vm0, $0xb8;
	[tilespmem:$0x10080] =	vst v63  }
0x56: {  	_ = 	snop  }
0x57: {  	[tilespmem:s26], [sflag:$0x3] =	stream.indirect_vreg.gather [hbm4b:s5+s3], $0x80, v3, vm0, $0xb8;
	[tilespmem:$0x10080] =	vst v63  }
0x58: {  	s29 =	simm.s32 $0xB880  }
0x59: {  	[tilespmem:s29], [sflag:$0x3] =	stream.indirect_vreg.gather [hbm4b:s6+s3], $0x80, v3, vm0, $0xb8;
	[tilespmem:$0x10080] =	vst v63  }
0x5a: {  	v3 =	vld [tilespmem:$0x30];
	_ =	sdelay $0x4  }
0x5b: {  	v59 =	vshll.u32 v3, $0x3  }
0x5c: {  	v3 =	vand.u32 $0x7, v3;
	v4 =	vand.u32 $0xFFFFFFC0, v59  }
0x5d: {  	v3 =	vor.u32 v3, v4  }
0x5e: {  	v4 =	vperm.xlane v3, v0;
	_ =	sdelay $0x1  }
0x5f: {  	v4 =	vadd.s32 v1, v4;
	_ =	sdelay $0x4  }
0x60: {  	[tilespmem:s28], [sflag:$0x4] =	stream.indirect_vreg.gather [hbm4b:s2+s3], $0x80, v4, vm0, $0xb8;
	[tilespmem:$0x10080] =	vst v63  }
0x61: {  	s29 =	simm.s32 $0xC880;
	v3 =	vperm.xlane v3, v2  }
0x62: {  	[tilespmem:s29], [sflag:$0x4] =	stream.indirect_vreg.gather [hbm4b:s4+s3], $0x80, v4, vm0, $0xb8;
	[tilespmem:$0x10080] =	vst v63  }
0x63: {  	v3 =	vadd.s32 v1, v3;
	s29 =	simm.s32 $0xD080  }
0x64: {  	[tilespmem:s29], [sflag:$0x4] =	stream.indirect_vreg.gather [hbm4b:s5+s3], $0x80, v4, vm0, $0xb8;
	[tilespmem:$0x10080] =	vst v63  }
0x65: {  	s29 =	simm.s32 $0xD880  }
0x66: {  	[tilespmem:s29], [sflag:$0x4] =	stream.indirect_vreg.gather [hbm4b:s6+s3], $0x80, v4, vm0, $0xb8;
	[tilespmem:$0x10080] =	vst v63  }
0x67: {  	s29 =	simm.s32 $0xE080  }
0x68: {  	[tilespmem:s29], [sflag:$0x4] =	stream.indirect_vreg.gather [hbm4b:s2+s3], $0x80, v3, vm0, $0xb8;
	[tilespmem:$0x10080] =	vst v63  }
0x69: {  	s29 =	simm.s32 $0xE880  }
0x6a: {  	[tilespmem:s29], [sflag:$0x4] =	stream.indirect_vreg.gather [hbm4b:s4+s3], $0x80, v3, vm0, $0xb8;
	[tilespmem:$0x10080] =	vst v63  }
0x6b: {  	s29 =	simm.s32 $0xF080  }
0x6c: {  	[tilespmem:s29], [sflag:$0x4] =	stream.indirect_vreg.gather [hbm4b:s5+s3], $0x80, v3, vm0, $0xb8;
	[tilespmem:$0x10080] =	vst v63  }
0x6d: {  	s20 =	simm.s32 $0x1;
	s29 =	simm.s32 $0xF880  }
0x6e: {  	[tilespmem:s29], [sflag:$0x4] =	stream.indirect_vreg.gather [hbm4b:s6+s3], $0x80, v3, vm0, $0xb8;
	[tilespmem:$0x10080] =	vst v63  }
0x6f: {  	_ =	swait.ge [sflag:s20], $0x4000  }
0x70: {  	[sflag:s20] =	ssyncset.done $0x0  }
0x71: {  	s29 =	rddreg [dreg:$0x4];
	[sflag:s20] =	ssyncadd.s32 $0xFFFFC000  }
0x72: {  	[hbm4b:s29+s3] =	stream.linear.scatter [tilespmem:s17], [sflag:$0x5], $0x4000, $0x38;
	[tilespmem:$0x10080] =	vst v63  }
0x73: {  	_ =	swait.ge [sflag:s21], $0x4000  }
0x74: {  	[sflag:s21] =	ssyncset.done $0x0  }
0x75: {  	[sflag:s21] =	ssyncadd.s32 $0xFFFFC000  }
0x76: {  	v3 =	vld [tilespmem:$0x40];
	_ =	sdelay $0x4  }
0x77: {  	v60 =	vshll.u32 v3, $0x3  }
0x78: {  	v3 =	vand.u32 $0x7, v3;
	v4 =	vand.u32 $0xFFFFFFC0, v60  }
0x79: {  	v3 =	vor.u32 v3, v4  }
0x7a: {  	v4 =	vperm.xlane v3, v0;
	_ =	sdelay $0x1  }
0x7b: {  	v4 =	vadd.s32 v1, v4;
	_ =	sdelay $0x4  }
0x7c: {  	[tilespmem:s17], [sflag:$0x1] =	stream.indirect_vreg.gather [hbm4b:s2+s3], $0x80, v4, vm0, $0xb8;
	[tilespmem:$0x10080] =	vst v63  }
0x7d: {  	v3 =	vperm.xlane v3, v2  }
0x7e: {  	[tilespmem:s30], [sflag:$0x1] =	stream.indirect_vreg.gather [hbm4b:s4+s3], $0x80, v4, vm0, $0xb8;
	[tilespmem:$0x10080] =	vst v63  }
0x7f: {  	v3 =	vadd.s32 v1, v3  }
0x80: {  	[tilespmem:s31], [sflag:$0x1] =	stream.indirect_vreg.gather [hbm4b:s5+s3], $0x80, v4, vm0, $0xb8;
	[tilespmem:$0x10080] =	vst v63  }
0x81: {  	_ = 	snop  }
0x82: {  	[tilespmem:s1], [sflag:$0x1] =	stream.indirect_vreg.gather [hbm4b:s6+s3], $0x80, v4, vm0, $0xb8;
	[tilespmem:$0x10080] =	vst v63  }
0x83: {  	_ = 	snop  }
0x84: {  	[tilespmem:s0], [sflag:$0x1] =	stream.indirect_vreg.gather [hbm4b:s2+s3], $0x80, v3, vm0, $0xb8;
	[tilespmem:$0x10080] =	vst v63  }
0x85: {  	_ = 	snop  }
0x86: {  	[tilespmem:s11], [sflag:$0x1] =	stream.indirect_vreg.gather [hbm4b:s4+s3], $0x80, v3, vm0, $0xb8;
	[tilespmem:$0x10080] =	vst v63  }
0x87: {  	_ = 	snop  }
0x88: {  	[tilespmem:s12], [sflag:$0x1] =	stream.indirect_vreg.gather [hbm4b:s5+s3], $0x80, v3, vm0, $0xb8;
	[tilespmem:$0x10080] =	vst v63  }
0x89: {  	s0 =	simm.s32 $0x2  }
0x8a: {  	[tilespmem:s13], [sflag:$0x1] =	stream.indirect_vreg.gather [hbm4b:s6+s3], $0x80, v3, vm0, $0xb8;
	[tilespmem:$0x10080] =	vst v63  }
0x8b: {  	_ =	swait.ge [sflag:s0], $0x4000  }
0x8c: {  	[sflag:s0] =	ssyncset.done $0x0  }
0x8d: {  	s1 =	rddreg [dreg:$0x5];
	[sflag:s0] =	ssyncadd.s32 $0xFFFFC000  }
0x8e: {  	[hbm4b:s1+s3] =	stream.linear.scatter [tilespmem:s25], [sflag:$0x6], $0x4000, $0x38;
	[tilespmem:$0x10080] =	vst v63  }
0x8f: {  	s1 =	simm.s32 $0x6  }
0x90: {  	_ =	swait.ge [sflag:s1], $0x4000  }
0x91: {  	[sflag:s1] =	ssyncset.done $0x0  }
0x92: {  	[sflag:s1] =	ssyncadd.s32 $0xFFFFC000  }
0x93: {  	v3 =	vld [tilespmem:$0x50];
	_ =	sdelay $0x4  }
0x94: {  	v61 =	vshll.u32 v3, $0x3  }
0x95: {  	v3 =	vand.u32 $0x7, v3;
	v4 =	vand.u32 $0xFFFFFFC0, v61  }
0x96: {  	v3 =	vor.u32 v3, v4  }
0x97: {  	v4 =	vperm.xlane v3, v0;
	_ =	sdelay $0x1  }
0x98: {  	v4 =	vadd.s32 v1, v4;
	_ =	sdelay $0x4  }
0x99: {  	[tilespmem:s25], [sflag:$0x2] =	stream.indirect_vreg.gather [hbm4b:s2+s3], $0x80, v4, vm0, $0xb8;
	[tilespmem:$0x10080] =	vst v63  }
0x9a: {  	v3 =	vperm.xlane v3, v2  }
0x9b: {  	[tilespmem:s14], [sflag:$0x2] =	stream.indirect_vreg.gather [hbm4b:s4+s3], $0x80, v4, vm0, $0xb8;
	[tilespmem:$0x10080] =	vst v63  }
0x9c: {  	v3 =	vadd.s32 v1, v3  }
0x9d: {  	[tilespmem:s15], [sflag:$0x2] =	stream.indirect_vreg.gather [hbm4b:s5+s3], $0x80, v4, vm0, $0xb8;
	[tilespmem:$0x10080] =	vst v63  }
0x9e: {  	_ = 	snop  }
0x9f: {  	[tilespmem:s16], [sflag:$0x2] =	stream.indirect_vreg.gather [hbm4b:s6+s3], $0x80, v4, vm0, $0xb8;
	[tilespmem:$0x10080] =	vst v63  }
0xa0: {  	_ = 	snop  }
0xa1: {  	[tilespmem:s18], [sflag:$0x2] =	stream.indirect_vreg.gather [hbm4b:s2+s3], $0x80, v3, vm0, $0xb8;
	[tilespmem:$0x10080] =	vst v63  }
0xa2: {  	_ = 	snop  }
0xa3: {  	[tilespmem:s8], [sflag:$0x2] =	stream.indirect_vreg.gather [hbm4b:s4+s3], $0x80, v3, vm0, $0xb8;
	[tilespmem:$0x10080] =	vst v63  }
0xa4: {  	_ = 	snop  }
0xa5: {  	[tilespmem:s9], [sflag:$0x2] =	stream.indirect_vreg.gather [hbm4b:s5+s3], $0x80, v3, vm0, $0xb8;
	[tilespmem:$0x10080] =	vst v63  }
0xa6: {  	s8 =	simm.s32 $0x3  }
0xa7: {  	[tilespmem:s10], [sflag:$0x2] =	stream.indirect_vreg.gather [hbm4b:s6+s3], $0x80, v3, vm0, $0xb8;
	[tilespmem:$0x10080] =	vst v63  }
0xa8: {  	_ =	swait.ge [sflag:s8], $0x4000  }
0xa9: {  	[sflag:s8] =	ssyncset.done $0x0  }
0xaa: {  	s9 =	simm.s32 $0x7;
	s10 =	rddreg [dreg:$0x6];
	[sflag:s8] =	ssyncadd.s32 $0xFFFFC000  }
0xab: {  	[hbm4b:s10+s3] =	stream.linear.scatter [tilespmem:s19], [sflag:$0x7], $0x4000, $0x38;
	[tilespmem:$0x10080] =	vst v63  }
0xac: {  	_ =	swait.ge [sflag:s9], $0x4000  }
0xad: {  	[sflag:s9] =	ssyncset.done $0x0  }
0xae: {  	[sflag:s9] =	ssyncadd.s32 $0xFFFFC000  }
0xaf: {  	v3 =	vld [tilespmem:$0x60];
	_ =	sdelay $0x4  }
0xb0: {  	v62 =	vshll.u32 v3, $0x3  }
0xb1: {  	v3 =	vand.u32 $0x7, v3;
	v4 =	vand.u32 $0xFFFFFFC0, v62  }
0xb2: {  	v3 =	vor.u32 v3, v4  }
0xb3: {  	v4 =	vperm.xlane v3, v0;
	_ =	sdelay $0x1  }
0xb4: {  	v4 =	vadd.s32 v1, v4;
	_ =	sdelay $0x4  }
0xb5: {  	[tilespmem:s19], [sflag:$0x3] =	stream.indirect_vreg.gather [hbm4b:s2+s3], $0x80, v4, vm0, $0xb8;
	[tilespmem:$0x10080] =	vst v63  }
0xb6: {  	s11 =	simm.s32 $0x8880;
	v3 =	vperm.xlane v3, v2  }
0xb7: {  	[tilespmem:s11], [sflag:$0x3] =	stream.indirect_vreg.gather [hbm4b:s4+s3], $0x80, v4, vm0, $0xb8;
	[tilespmem:$0x10080] =	vst v63  }
0xb8: {  	s29 =	simm.s32 $0x9080;
	v3 =	vadd.s32 v1, v3  }
0xb9: {  	[tilespmem:s29], [sflag:$0x3] =	stream.indirect_vreg.gather [hbm4b:s5+s3], $0x80, v4, vm0, $0xb8;
	[tilespmem:$0x10080] =	vst v63  }
0xba: {  	s11 =	simm.s32 $0x9880  }
0xbb: {  	[tilespmem:s11], [sflag:$0x3] =	stream.indirect_vreg.gather [hbm4b:s6+s3], $0x80, v4, vm0, $0xb8;
	[tilespmem:$0x10080] =	vst v63  }
0xbc: {  	_ = 	snop  }
0xbd: {  	[tilespmem:s23], [sflag:$0x3] =	stream.indirect_vreg.gather [hbm4b:s2+s3], $0x80, v3, vm0, $0xb8;
	[tilespmem:$0x10080] =	vst v63  }
0xbe: {  	_ = 	snop  }
0xbf: {  	[tilespmem:s24], [sflag:$0x3] =	stream.indirect_vreg.gather [hbm4b:s4+s3], $0x80, v3, vm0, $0xb8;
	[tilespmem:$0x10080] =	vst v63  }
0xc0: {  	_ = 	snop  }
0xc1: {  	[tilespmem:s26], [sflag:$0x3] =	stream.indirect_vreg.gather [hbm4b:s5+s3], $0x80, v3, vm0, $0xb8;
	[tilespmem:$0x10080] =	vst v63  }
0xc2: {  	s10 =	simm.s32 $0x4;
	s29 =	simm.s32 $0xB880  }
0xc3: {  	[tilespmem:s29], [sflag:$0x3] =	stream.indirect_vreg.gather [hbm4b:s6+s3], $0x80, v3, vm0, $0xb8;
	[tilespmem:$0x10080] =	vst v63  }
0xc4: {  	_ =	swait.ge [sflag:s10], $0x4000  }
0xc5: {  	[sflag:s10] =	ssyncset.done $0x0  }
0xc6: {  	s11 =	rddreg [dreg:$0x7];
	[sflag:s10] =	ssyncadd.s32 $0xFFFFC000  }
0xc7: {  	[hbm4b:s11+s3] =	stream.linear.scatter [tilespmem:s28], [sflag:$0x8], $0x4000, $0x38;
	[tilespmem:$0x10080] =	vst v63  }
0xc8: {  	_ =	swait.ge [sflag:s22], $0x4000  }
0xc9: {  	[sflag:s22] =	ssyncset.done $0x0  }
0xca: {  	[sflag:s22] =	ssyncadd.s32 $0xFFFFC000  }
0xcb: {  	v3 =	vld [tilespmem:$0x70];
	_ =	sdelay $0x4  }
0xcc: {  	v63 =	vshll.u32 v3, $0x3  }
0xcd: {  	v3 =	vand.u32 $0x7, v3;
	v4 =	vand.u32 $0xFFFFFFC0, v63  }
0xce: {  	v3 =	vor.u32 v3, v4  }
0xcf: {  	v4 =	vperm.xlane v3, v0;
	_ =	sdelay $0x1  }
0xd0: {  	v4 =	vadd.s32 v1, v4;
	_ =	sdelay $0x4  }
0xd1: {  	[tilespmem:s28], [sflag:$0x4] =	stream.indirect_vreg.gather [hbm4b:s2+s3], $0x80, v4, vm0, $0xb8;
	[tilespmem:$0x10080] =	vst v63  }
0xd2: {  	s29 =	simm.s32 $0xC880;
	v3 =	vperm.xlane v3, v2  }
0xd3: {  	[tilespmem:s29], [sflag:$0x4] =	stream.indirect_vreg.gather [hbm4b:s4+s3], $0x80, v4, vm0, $0xb8;
	[tilespmem:$0x10080] =	vst v63  }
0xd4: {  	v3 =	vadd.s32 v1, v3;
	s29 =	simm.s32 $0xD080  }
0xd5: {  	[tilespmem:s29], [sflag:$0x4] =	stream.indirect_vreg.gather [hbm4b:s5+s3], $0x80, v4, vm0, $0xb8;
	[tilespmem:$0x10080] =	vst v63  }
0xd6: {  	s29 =	simm.s32 $0xD880  }
0xd7: {  	[tilespmem:s29], [sflag:$0x4] =	stream.indirect_vreg.gather [hbm4b:s6+s3], $0x80, v4, vm0, $0xb8;
	[tilespmem:$0x10080] =	vst v63  }
0xd8: {  	s29 =	simm.s32 $0xE080  }
0xd9: {  	[tilespmem:s29], [sflag:$0x4] =	stream.indirect_vreg.gather [hbm4b:s2+s3], $0x80, v3, vm0, $0xb8;
	[tilespmem:$0x10080] =	vst v63  }
0xda: {  	s29 =	simm.s32 $0xE880  }
0xdb: {  	[tilespmem:s29], [sflag:$0x4] =	stream.indirect_vreg.gather [hbm4b:s4+s3], $0x80, v3, vm0, $0xb8;
	[tilespmem:$0x10080] =	vst v63  }
0xdc: {  	s29 =	simm.s32 $0xF080  }
0xdd: {  	[tilespmem:s29], [sflag:$0x4] =	stream.indirect_vreg.gather [hbm4b:s5+s3], $0x80, v3, vm0, $0xb8;
	[tilespmem:$0x10080] =	vst v63  }
0xde: {  	s29 =	simm.s32 $0xF880  }
0xdf: {  	[tilespmem:s29], [sflag:$0x4] =	stream.indirect_vreg.gather [hbm4b:s6+s3], $0x80, v3, vm0, $0xb8;
	[tilespmem:$0x10080] =	vst v63  }
0xe0: {  	_ =	swait.ge [sflag:s20], $0x4000  }
0xe1: {  	[sflag:s20] =	ssyncset.done $0x0  }
0xe2: {  	s11 =	rddreg [dreg:$0x8];
	[sflag:s20] =	ssyncadd.s32 $0xFFFFC000  }
0xe3: {  	[hbm4b:s11+s3] =	stream.linear.scatter [tilespmem:s17], [sflag:$0x5], $0x4000, $0x38;
	[tilespmem:$0x10080] =	vst v63  }
0xe4: {  	_ =	swait.ge [sflag:s0], $0x4000  }
0xe5: {  	[sflag:s0] =	ssyncset.done $0x0  }
0xe6: {  	s20 =	rddreg [dreg:$0x9];
	[sflag:s0] =	ssyncadd.s32 $0xFFFFC000  }
0xe7: {  	[hbm4b:s20+s3] =	stream.linear.scatter [tilespmem:s25], [sflag:$0x6], $0x4000, $0x38;
	[tilespmem:$0x10080] =	vst v63  }
0xe8: {  	_ =	swait.ge [sflag:s8], $0x4000  }
0xe9: {  	[sflag:s8] =	ssyncset.done $0x0  }
0xea: {  	s11 =	rddreg [dreg:$0xa];
	[sflag:s8] =	ssyncadd.s32 $0xFFFFC000  }
0xeb: {  	[hbm4b:s11+s3] =	stream.linear.scatter [tilespmem:s19], [sflag:$0x7], $0x4000, $0x38;
	[tilespmem:$0x10080] =	vst v63  }
0xec: {  	_ =	swait.ge [sflag:s10], $0x4000  }
0xed: {  	[sflag:s10] =	ssyncset.done $0x0  }
0xee: {  	s20 =	rddreg [dreg:$0xb];
	[sflag:s10] =	ssyncadd.s32 $0xFFFFC000  }
0xef: {  	[hbm4b:s20+s3] =	stream.linear.scatter [tilespmem:s28], [sflag:$0x8], $0x4000, $0x38;
	[tilespmem:$0x10080] =	vst v63  }
0xf0: {  	_ =	swait.ge [sflag:s21], $0x4000  }
0xf1: {  	[sflag:s21] =	ssyncset.done $0x0  }
0xf2: {  	[sflag:s21] =	ssyncadd.s32 $0xFFFFC000  }
0xf3: {  	_ =	swait.ge [sflag:s1], $0x4000  }
0xf4: {  	[sflag:s1] =	ssyncset.done $0x0  }
0xf5: {  	[sflag:s1] =	ssyncadd.s32 $0xFFFFC000  }
0xf6: {  	p0 =	sne.s32 s7, $0x1;
	_ =	swait.ge [sflag:s9], $0x4000  }
.Ltmp0:
0xf7: {  	[sflag:s9] =	ssyncset.done $0x0;
	(pc) =	sbr.rel @p0 .LBB2_1-.Ltmp0, $4  }
0xf8: {  	[sflag:s9] =	ssyncadd.s32 $0xFFFFC000  }
0xf9: {  	_ =	swait.ge [sflag:s22], $0x4000  }
0xfa: {  	[sflag:s22] =	ssyncset.done $0x0  }
0xfb: {  	s7 =	sadd.s32 $0xFFFFFFFF, s7;
	[sflag:s22] =	ssyncadd.s32 $0xFFFFC000  }
0xfc: {  	_ =	sfence.sel $0x180000  }
0xfd: {  	[bflag:$0x0] =	sbarrier.arrive $0xFFFF  }
0xfe: {  	_ =	strace $0x90000047  }
0xff: {  	s0 =	stileid.u32;
	[bflag:$0x2] =	sbarrier.arrive $0xFFFF  }
0x100: {  	p0 =	sne.s32 s0, $0x0;
	s0 =	rddreg [dreg:$0x2]  }
0x101: {  	s0 =	sadd.s32 @!p0 $0x100000, s0  }
0x102: {  	[sflag:s0] =	ssyncadd.tile.s32 @!p0 $0x1;
	_ =	shalt  }
.Lfunc_end2:
_tile_overlayer_lowered:
.L_overlay_start_2:
0x103: {  	(tag) =	ssettag $0x2  }
0x104: {  	s0 =	rddreg [dreg:$0x0];
	s2 =	stileid.u32  }
0x105: {  	s1 =	rddreg [dreg:$0x1];
	p0 =	sne.s32 s2, $0x0  }
0x106: {  	s3 =	rddreg [dreg:$0x2];
	[bflag:$0x3] =	sbarrier.arrive $0xFFFF;
	s2 =	simm.s32 @!p0 $0x1C09  }
0x107: {  	[timem:s3], [sflag:s2] =	dma.local @!p0 [hbm:s0], s1  }
0x108: {  	s0 =	simm.s32 @!p0 $0x9  }
0x109: {  	_ =	swait.ge @!p0 [sflag:s0], s1  }
0x10a: {  	s1 =	ssub.s32 @!p0 $0x0, s1;
	[sflag:s0] =	ssyncset.done @!p0 $0x0  }
0x10b: {  	[sflag:s0] =	ssyncadd.s32 @!p0 s1  }
0x10c: {  	[bflag:$0x3] =	sbarrier.arrive $0xFFFF  }
0x10d: {  	_ =	shalt  }

// kernel: kernel.9.cloned.1.call-start
scs
__scs_entry_jumppad:
0x0: {  	(pc) =	sbr.rel $0x88, $3  }
0x1: {  	(tag) =	ssettag $0x0;
	lr =	simm.s32 $0x1  }
0x2: {  	[smem:$0x3F9C] =	sst lr;
	_ =	strace $0xD0000000  }
0x3: {  	_ = 	snop  }
0x4: {  	_ = 	snop  }
0x5: {  	_ = 	snop  }
0x6: {  	_ = 	snop  }
0x7: {  	_ = 	snop  }
__scs_overlays_trampoline_lowered:
0x8: {  	[smem:$0x3FAB] =	sst s0  }
0x9: {  	[smem:$0x3FAC] =	sst s1  }
0xa: {  	[smem:$0x3FAD] =	sst s2  }
0xb: {  	[smem:$0x3FAE] =	sst s3  }
0xc: {  	[smem:$0x3FAF] =	sst s4  }
0xd: {  	[smem:$0x3FB0] =	sst s5  }
0xe: {  	[smem:$0x3FB1] =	sst s6  }
0xf: {  	[smem:$0x3FB2] =	sst s7  }
0x10: {  	[smem:$0x3FB3] =	sst s8  }
0x11: {  	[smem:$0x3FB4] =	sst s9;
	s0 =	simm.s32 @!p0 $0x0  }
0x12: {  	s1 =	sld [smem:$0x3F9A];
	s0 =	simm.s32 @p0 $0x1  }
0x13: {  	[smem:$0x3FB5] =	sst s0;
	s0 =	simm.s32 @!p1 $0x0  }
0x14: {  	s2 =	sld [smem:$0x3F99];
	s0 =	simm.s32 @p1 $0x1  }
0x15: {  	[smem:$0x3FB6] =	sst s0;
	s0 =	simm.s32 @!p2 $0x0  }
0x16: {  	s3 =	sld [smem:$0x3FDB];
	s0 =	simm.s32 @p2 $0x1  }
0x17: {  	s4 =	simm.s32 $0x1BF5;
	[smem:$0x3FB8] =	sst s0  }
0x18: {  	s0 =	sld [smem:$0x3F9B];
	_ =	swait.ge [sflag:s4], $0x0  }
0x19: {  	s7 =	sld [smem:$0x3F9C]  }
0x1a: {  	s8 =	sadd.s32 $0xFFFFE003, lr  }
0x1b: {  	s9 =	sadd.s32 $0xFFFFFEF7, lr;
	s5 =	simm.s32 $0xFFFFFFFF;
	p2 =	slt.u32 s8, $0xFFFFF086  }
0x1c: {  	p1 =	slt.u32 s9, $0xF7A;
	s5 =	simm.s32 @!p2 $0x0  }
0x1d: {  	s5 =	simm.s32 @p1 $0x1;
	p0 =	seq.s32 s7, s2  }
0x1e: {  	s7 =	smul.u32 @!p0 $0xF7A, s2;
	p2 =	seq.s32 @!p0 s5, $0x0  }
0x1f: {  	s9 =	smul.u32 $0xF7A, s1;
	s8 =	simm.s32 @!p0 $0x1BF5;
	p2 =	por !p2, p0  }
0x20: {  	[sflag:s8] =	ssyncset.s32 @!p0 $0xFFFFF086;
	s6 =	sadd.s32 @!p0 s3, s7;
	s7 =	simm.s32 @!p0 $0x108  }
0x21: {  	s3 =	sadd.s32 s3, s9;
	s6 =	sadd.s32 @!p0 $0x88, s6;
	s7 =	simm.s32 @p2 $0x1082  }
0x22: {  	[simem:s7], [sflag:s8] =	dma.local @!p0 [hbm:s6], $0xF7A  }
0x23: {  	s9 =	sor.u32 $0xD0000000, s2;
	s6 =	simm.s32 $0x108;
	_ =	swait.ge @!p0 [sflag:s8], $0x0  }
0x24: {  	s3 =	sadd.s32 $0x88, s3;
	s6 =	simm.s32 @!p1 $0x1082;
	[sflag:s4] =	ssyncset.s32 $0xFFFFF086  }
0x25: {  	[simem:s6], [sflag:s4] =	dma.local [hbm:s3], $0xF7A  }
0x26: {  	[smem:$0x3F9C] =	sst s1;
	(tag) =	ssettag s2;
	_ =	strace s9  }
0x27: {  	s1 =	sld [smem:$0x3FAC]  }
0x28: {  	s2 =	sld [smem:$0x3FAD]  }
0x29: {  	s4 =	sld [smem:$0x3FAF]  }
0x2a: {  	p0 =	seq.s32 s5, $0x0;
	s5 =	sld [smem:$0x3FB0]  }
0x2b: {  	s6 =	sld [smem:$0x3FB1]  }
0x2c: {  	s7 =	sld [smem:$0x3FB2]  }
0x2d: {  	s3 =	simm.s32 $0x108;
	s8 =	sld [smem:$0x3FB3]  }
0x2e: {  	s3 =	simm.s32 @!p0 $0x1082;
	s9 =	sld [smem:$0x3FB4]  }
0x2f: {  	lr =	sadd.s32 s0, s3;
	s0 =	sld [smem:$0x3FAB]  }
0x30: {  	s3 =	sld [smem:$0x3FAE]  }
0x31: {  	[smem:$0x3FB7] =	sst s10  }
0x32: {  	s10 =	sld [smem:$0x3FB5];
	_ =	sdelay $0x3  }
0x33: {  	p0 =	seq.s32 s10, $0x1;
	s10 =	sld [smem:$0x3FB7];
	_ =	sdelay $0x3  }
0x34: {  	[smem:$0x3FB7] =	sst s10  }
0x35: {  	s10 =	sld [smem:$0x3FB6];
	_ =	sdelay $0x3  }
0x36: {  	p1 =	seq.s32 s10, $0x1;
	s10 =	sld [smem:$0x3FB7];
	_ =	sdelay $0x3  }
0x37: {  	[smem:$0x3FB7] =	sst s10  }
0x38: {  	s10 =	sld [smem:$0x3FB8]  }
0x39: {  	_ = 	snop;
	(pc) =	sbr.ind lr, $3  }
0x3a: {  	_ = 	snop  }
0x3b: {  	_ = 	snop  }
0x3c: {  	p2 =	seq.s32 s10, $0x1;
	s10 =	sld [smem:$0x3FB7]  }
0x3d: {  	_ =	shalt  }
0x3e: {  	_ =	shalt  }
0x3f: {  	_ =	shalt  }
0x40: {  	_ =	shalt  }
0x41: {  	_ =	shalt  }
0x42: {  	_ =	shalt  }
0x43: {  	_ =	shalt  }
0x44: {  	_ =	shalt  }
0x45: {  	_ =	shalt  }
0x46: {  	_ =	shalt  }
0x47: {  	_ =	shalt  }
0x48: {  	_ =	shalt  }
0x49: {  	_ =	shalt  }
0x4a: {  	_ =	shalt  }
0x4b: {  	_ =	shalt  }
0x4c: {  	_ =	shalt  }
0x4d: {  	_ =	shalt  }
0x4e: {  	_ =	shalt  }
0x4f: {  	_ =	shalt  }
0x50: {  	_ =	shalt  }
0x51: {  	_ =	shalt  }
0x52: {  	_ =	shalt  }
0x53: {  	_ =	shalt  }
0x54: {  	_ =	shalt  }
0x55: {  	_ =	shalt  }
0x56: {  	_ =	shalt  }
0x57: {  	_ =	shalt  }
0x58: {  	_ =	shalt  }
0x59: {  	_ =	shalt  }
0x5a: {  	_ =	shalt  }
0x5b: {  	_ =	shalt  }
0x5c: {  	_ =	shalt  }
0x5d: {  	_ =	shalt  }
0x5e: {  	_ =	shalt  }
0x5f: {  	_ =	shalt  }
0x60: {  	_ =	shalt  }
0x61: {  	_ =	shalt  }
0x62: {  	_ =	shalt  }
0x63: {  	_ =	shalt  }
0x64: {  	_ =	shalt  }
0x65: {  	_ =	shalt  }
0x66: {  	_ =	shalt  }
0x67: {  	_ =	shalt  }
0x68: {  	_ =	shalt  }
0x69: {  	_ =	shalt  }
0x6a: {  	_ =	shalt  }
0x6b: {  	_ =	shalt  }
0x6c: {  	_ =	shalt  }
0x6d: {  	_ =	shalt  }
0x6e: {  	_ =	shalt  }
0x6f: {  	_ =	shalt  }
0x70: {  	_ =	shalt  }
0x71: {  	_ =	shalt  }
0x72: {  	_ =	shalt  }
0x73: {  	_ =	shalt  }
0x74: {  	_ =	shalt  }
0x75: {  	_ =	shalt  }
0x76: {  	_ =	shalt  }
0x77: {  	_ =	shalt  }
0x78: {  	_ =	shalt  }
0x79: {  	_ =	shalt  }
0x7a: {  	_ =	shalt  }
0x7b: {  	_ =	shalt  }
0x7c: {  	_ =	shalt  }
0x7d: {  	_ =	shalt  }
0x7e: {  	_ =	shalt  }
0x7f: {  	_ =	shalt  }
0x80: {  	_ =	shalt  }
0x81: {  	_ =	shalt  }
0x82: {  	_ =	shalt  }
0x83: {  	_ =	shalt  }
0x84: {  	_ =	shalt  }
0x85: {  	_ =	shalt  }
0x86: {  	_ =	shalt  }
0x87: {  	_ =	shalt  }
.Lfunc_end0:
.L_simem_size_0:
called_computation.1_lowered:
.L_overlay_start_0:
0x88: {  	s2 =	sld [smem:$0x3FD9]  }
0x89: {  	s3 =	sld [smem:$0x3FFE];
	_ =	sdelay $0x1  }
0x8a: {  	s1 =	srdreg.scid  }
0x8b: {  	s0 =	sand.u32 $0x1, s1  }
0x8c: {  	s17 =	sshll.u32 s0, $0xA;
	s2 =	sadd.s32 s3, s2  }
0x8d: {  	s2 =	sadd.s32 s2, s17  }
0x8e: {  	[smem:$0x3FC3] =	sst s2  }
0x8f: {  	_ = 	snop  }
0x90: {  	s18 =	sld [smem:$0x3FC7];
	(tm) =	ssettm $0x1  }
0x91: {  	s19 =	sld [smem:$0x3FFB];
	_ =	sdelay $0x3  }
0x92: {  	_ =	strace s19  }
0x93: {  	s2 =	sld [smem:$0x3FFC];
	_ =	sdelay $0x3  }
0x94: {  	_ =	strace s2  }
0x95: {  	s2 =	sld [smem:$0x3FFD];
	_ =	sdelay $0x3  }
0x96: {  	_ =	strace s2  }
0x97: {  	_ =	strace $0x8FFFFFFF  }
0x98: {  	s20 =	sld [smem:$0x3FDB];
	_ =	sdelay $0x1  }
0x99: {  	s4 =	simm.s32 $_scs_section_size  }
0x9a: {  	s5 =	simm.s32 $_size__tile_overlayer_lowered;
	s6 =	simm.s32 $_tile_overlayer_lowered  }
0x9b: {  	s7 =	simm.s32 $0x1BFF;
	s21 =	sshll.u32 s6, $0x1;
	s4 =	sadd.s32 s4, s20  }
0x9c: {  	s22 =	simm.s32 $0x0;
	s5 =	sshll.u32 s5, $0x1;
	s6 =	sadd.s32 s21, s4  }
0x9d: {  	[timem:s22], [sflag:s7] =	dma.local [hbm:s6], s5  }
0x9e: {  	_ =	swait.ge [sflag:s7], s5  }
0x9f: {  	s5 =	ssub.s32 $0x0, s5;
	[sflag:s7] =	ssyncset.done $0x0  }
0xa0: {  	[sflag:s7] =	ssyncadd.s32 s5;
	_ =	sdelay $0x1  }
0xa1: {  	s23 =	simm.s32 $0x1B8B  }
0xa2: {  	_ =	swait.ge [sflag:s23], $0x1  }
0xa3: {  	[sflag:s23] =	ssyncset.done $0x0  }
0xa4: {  	[sflag:s23] =	ssyncadd.s32 $0xFFFFFFFF  }
0xa5: {  	s5 =	sld [smem:$0x0]  }
0xa6: {  	s6 =	sand.u32 $0xFFFFFFFE, s1  }
0xa7: {  	p0 =	sne.s32 s1, s6  }
0xa8: {  	s6 =	sshll.u32 @p0 s6, $0xE  }
0xa9: {  	s6 =	sadd.s32 @p0 $0x11B8D, s6;
	s7 =	sshll.u32 @p0 s5, $0x11  }
0xaa: {  	s6 =	sor.u32 @p0 s7, s6  }
0xab: {  	[sflag:s6] =	ssyncadd.remote.s32 @p0 $0x1;
	_ =	sdelay $0x1  }
0xac: {  	s6 =	simm.s32 @p0 $0x1B8D  }
0xad: {  	_ =	swait.eq @p0 [sflag:s6], $0x1  }
0xae: {  	[sflag:s6] =	ssyncadd.s32 @p0 $0xFFFFFFFF  }
0xaf: {  	s7 =	sshll.u32 @!p0 s1, $0xE  }
0xb0: {  	s7 =	sor.u32 @!p0 $0x4000, s7;
	s6 =	simm.s32 @!p0 $0x1B8D  }
0xb1: {  	s5 =	sshll.u32 @!p0 s5, $0x11;
	s7 =	sadd.s32 @!p0 $0x11B8D, s7;
	_ =	swait.eq @!p0 [sflag:s6], $0x1  }
0xb2: {  	s5 =	sor.u32 @!p0 s5, s7;
	[sflag:s6] =	ssyncadd.s32 @!p0 $0xFFFFFFFF  }
0xb3: {  	s25 =	simm.s32 $0x1B8E;
	s24 =	sld [smem:$0x3FFE];
	[sflag:s5] =	ssyncadd.remote.s32 @!p0 $0x1  }
0xb4: {  	s26 =	simm.s32 $execute0_lowered;
	[smem:$0x3FD2] =	sst s25  }
0xb5: {  	s6 =	sshll.u32 s26, $0x1;
	_ =	strace $0x80000049;
	[dreg:$0x1] =	wrdreg $0xFFFFFFFF  }
0xb6: {  	s28 =	simm.s32 $_size_execute0_lowered;
	s4 =	sadd.s32 s4, s6;
	[dreg:$0x0] =	wrdreg $0x0  }
0xb7: {  	s6 =	sshll.u32 s28, $0x1;
	[dreg:$0x2] =	wrdreg s4  }
0xb8: {  	[dreg:$0x3] =	wrdreg s6  }
0xb9: {  	[dreg:$0x4] =	wrdreg $0xC0  }
0xba: {  	_ =	task [dreg:s22], $0x5FFFF  }
0xbb: {  	[dreg:$0x1] =	wrdreg $0xFFFFFFFF  }
0xbc: {  	[dreg:$0x0] =	wrdreg $0x60  }
0xbd: {  	[dreg:$0x2] =	wrdreg s24  }
0xbe: {  	[dreg:$0x3] =	wrdreg s18  }
0xbf: {  	[dreg:$0x4] =	wrdreg $0xA  }
0xc0: {  	_ =	task.clear_ibuf [dreg:s22], $0x5FFFF;
	_ =	strace $0x90000049  }
0xc1: {  	s29 =	simm.s32 $0xA;
	_ =	strace $0x8000004B  }
0xc2: {  	_ =	swait.ge [sflag:s29], $0x1  }
0xc3: {  	[sflag:s29] =	ssyncadd.s32 $0xFFFFFFFF  }
0xc4: {  	_ =	strace $0x9000004B  }
0xc5: {  	_ =	sfence  }
0xc6: {  	s30 =	sld [smem:$0x0];
	_ =	sdelay $0x2  }
0xc7: {  	s31 =	sshll.u32 s1, $0xD;
	s1 =	sshrl.u32 s1, $0x2  }
0xc8: {  	s4 =	sand.u32 $0x4000, s31;
	s1 =	sadd.s32 s1, s30  }
0xc9: {  	s0 =	sor.u32 s4, s0;
	s1 =	sshll.u32 s1, $0x11  }
0xca: {  	s0 =	sor.u32 s1, s0  }
0xcb: {  	s0 =	sadd.s32 $0x8F2B, s0  }
0xcc: {  	[sflag:s0] =	ssyncadd.remote.s32 $0x1  }
0xcd: {  	_ =	sfence.sel $0xFFFF  }
0xce: {  	[dreg:$0x0] =	wrdreg $0xFFFFFFFF;
	(pc) =	sbr.abs _section_cstart, $3  }
0xcf: {  	[dreg:$0x1] =	wrdreg $0xFFFFFFFF  }
0xd0: {  	_ =	task.clear_ibuf [dreg:s22], $0x2FFFF;
	_ =	strace $0x9FFFFFFF  }
0xd1: {  	(tm) =	ssettm $0x7FFFFFFF  }
tec
execute0_lowered:
.L_overlay_start_1:
0x0: {  	(tag) =	ssettag $0x1  }
0x1: {  	s0 =	srdreg.scid  }
0x2: {  	s2 =	stileid.u32;
	s4 =	rddreg [dreg:$0x0]  }
0x3: {  	s17 =	simm.s32 $0x80;
	s30 =	simm.s32 $0x880;
	s31 =	simm.s32 $0x1080  }
0x4: {  	s12 =	simm.s32 $0x3080;
	s13 =	simm.s32 $0x3880;
	s14 =	simm.s32 $0x4880  }
0x5: {  	s15 =	simm.s32 $0x5080;
	s16 =	simm.s32 $0x5880;
	s18 =	simm.s32 $0x6080  }
0x6: {  	s28 =	simm.s32 $0xC080;
	s0 =	sand.u32 $0x1, s0;
	s1 =	sshll.u32 s2, $0x1  }
0x7: {  	s3 =	sshll.u32 s2, $0x6;
	s2 =	rddreg [dreg:$0x1];
	s1 =	sor.u32 s0, s1  }
0x8: {  	s6 =	sand.u32 $0x300, s3;
	s5 =	sshll.u32 s1, $0x4;
	s1 =	sshll.u32 s1, $0xE  }
0x9: {  	s3 =	simm.s32 $0x0;
	s0 =	ssub.s32 $0x2, s0;
	s1 =	sadd.s32 s1, s4  }
0xa: {  	[smem:$0x7FF] =	sst s3;
	s25 =	sshrl.u32 s0, $0x1;
	s20 =	sadd.s32 $0x81200, s1  }
0xb: {  	_ =	strace $0x8000004A;
	s21 =	sadd.s32 $0x81A00, s1;
	[dreg:$0x4] =	wrdreg s20  }
0xc: {  	s5 =	sand.u32 $0x70, s5;
	s22 =	sadd.s32 $0x82200, s1;
	[dreg:$0x5] =	wrdreg s21  }
0xd: {  	s0 =	ssub.s32 s0, s25;
	s23 =	sadd.s32 $0x82A00, s1;
	[dreg:$0x6] =	wrdreg s22  }
0xe: {  	s25 =	simm.s32 $0x4080;
	s24 =	sadd.s32 $0x83200, s1;
	[dreg:$0x7] =	wrdreg s23  }
0xf: {  	s5 =	sor.u32 s5, s6;
	s26 =	sadd.s32 $0x83A00, s1;
	[dreg:$0x8] =	wrdreg s24  }
0x10: {  	s29 =	sadd.s32 $0x84200, s1;
	s1 =	sadd.s32 $0x84A00, s1;
	[dreg:$0x9] =	wrdreg s26  }
0x11: {  	s6 =	sadd.s32 $0x300, s2;
	s7 =	smax.u32 s0, $0x1;
	[dreg:$0xa] =	wrdreg s29  }
0x12: {  	s5 =	sadd.s32 s5, s4;
	s4 =	sadd.s32 $0x100, s2;
	[dreg:$0xb] =	wrdreg s1  }
0x13: {  	v2 =	vlaneseq.u32;
	s22 =	simm.s32 $0x8;
	s23 =	simm.s32 $0xA080;
	s24 =	simm.s32 $0xA880  }
0x14: {  	vm0 =	vmmov $0xffff;
	v1 =	vshrl.u32 v2, $0x3;
	s26 =	simm.s32 $0xB080;
	s21 =	simm.s32 $0x5;
	s19 =	sadd.s32 $0xE80, s5  }
0x15: {  	v0 =	vand.u32 $0x7, v2;
	v2 =	vor.u32 $0x8, v2;
	v1 =	vmul.u32 $0x8, v1;
	s5 =	sadd.s32 $0x200, s2;
	[dreg:$0x3] =	wrdreg s19;
	s19 =	simm.s32 $0x8080  }
.LBB2_1:
0x16: {  	s29 =	rddreg [dreg:$0x3];
	s0 =	simm.s32 $0x9  }
0x17: {  	[tilespmem:s3], [sflag:$0x9] =	stream.linear.gather [hbm4b:s29+s3], $0x80, $0x38;
	[tilespmem:$0x10080] =	vst v63  }
0x18: {  	_ =	swait.ge [sflag:s0], $0x80  }
0x19: {  	[sflag:s0] =	ssyncset.done $0x0  }
0x1a: {  	[sflag:s0] =	ssyncadd.s32 $0xFFFFFF80  }
0x1b: {  	v3 =	vld [tilespmem:$0x0];
	_ =	sdelay $0x4  }
0x1c: {  	v4 =	vshll.u32 v3, $0x3  }
0x1d: {  	v3 =	vand.u32 $0x7, v3;
	v4 =	vand.u32 $0xFFFFFFC0, v4  }
0x1e: {  	v3 =	vor.u32 v3, v4  }
0x1f: {  	v4 =	vperm.xlane v3, v0;
	_ =	sdelay $0x1  }
0x20: {  	v4 =	vadd.s32 v1, v4;
	_ =	sdelay $0x4  }
0x21: {  	[tilespmem:s17], [sflag:$0x1] =	stream.indirect_vreg.gather [hbm4b:s2+s3], $0x80, v4, vm0, $0xb8;
	[tilespmem:$0x10080] =	vst v63  }
0x22: {  	v3 =	vperm.xlane v3, v2  }
0x23: {  	[tilespmem:s30], [sflag:$0x1] =	stream.indirect_vreg.gather [hbm4b:s4+s3], $0x80, v4, vm0, $0xb8;
	[tilespmem:$0x10080] =	vst v63  }
0x24: {  	v3 =	vadd.s32 v1, v3  }
0x25: {  	[tilespmem:s31], [sflag:$0x1] =	stream.indirect_vreg.gather [hbm4b:s5+s3], $0x80, v4, vm0, $0xb8;
	[tilespmem:$0x10080] =	vst v63  }
0x26: {  	s1 =	simm.s32 $0x1880  }
0x27: {  	[tilespmem:s1], [sflag:$0x1] =	stream.indirect_vreg.gather [hbm4b:s6+s3], $0x80, v4, vm0, $0xb8;
	[tilespmem:$0x10080] =	vst v63  }
0x28: {  	s0 =	simm.s32 $0x2080  }
0x29: {  	[tilespmem:s0], [sflag:$0x1] =	stream.indirect_vreg.gather [hbm4b:s2+s3], $0x80, v3, vm0, $0xb8;
	[tilespmem:$0x10080] =	vst v63  }
0x2a: {  	s11 =	simm.s32 $0x2880  }
0x2b: {  	[tilespmem:s11], [sflag:$0x1] =	stream.indirect_vreg.gather [hbm4b:s4+s3], $0x80, v3, vm0, $0xb8;
	[tilespmem:$0x10080] =	vst v63  }
0x2c: {  	_ = 	snop  }
0x2d: {  	[tilespmem:s12], [sflag:$0x1] =	stream.indirect_vreg.gather [hbm4b:s5+s3], $0x80, v3, vm0, $0xb8;
	[tilespmem:$0x10080] =	vst v63  }
0x2e: {  	_ = 	snop  }
0x2f: {  	[tilespmem:s13], [sflag:$0x1] =	stream.indirect_vreg.gather [hbm4b:s6+s3], $0x80, v3, vm0, $0xb8;
	[tilespmem:$0x10080] =	vst v63  }
0x30: {  	v3 =	vld [tilespmem:$0x10];
	_ =	sdelay $0x4  }
0x31: {  	v57 =	vshll.u32 v3, $0x3  }
0x32: {  	v3 =	vand.u32 $0x7, v3;
	v4 =	vand.u32 $0xFFFFFFC0, v57  }
0x33: {  	v3 =	vor.u32 v3, v4  }
0x34: {  	v4 =	vperm.xlane v3, v0;
	_ =	sdelay $0x1  }
0x35: {  	v4 =	vadd.s32 v1, v4;
	_ =	sdelay $0x4  }
0x36: {  	[tilespmem:s25], [sflag:$0x2] =	stream.indirect_vreg.gather [hbm4b:s2+s3], $0x80, v4, vm0, $0xb8;
	[tilespmem:$0x10080] =	vst v63  }
0x37: {  	v3 =	vperm.xlane v3, v2  }
0x38: {  	[tilespmem:s14], [sflag:$0x2] =	stream.indirect_vreg.gather [hbm4b:s4+s3], $0x80, v4, vm0, $0xb8;
	[tilespmem:$0x10080] =	vst v63  }
0x39: {  	v3 =	vadd.s32 v1, v3  }
0x3a: {  	[tilespmem:s15], [sflag:$0x2] =	stream.indirect_vreg.gather [hbm4b:s5+s3], $0x80, v4, vm0, $0xb8;
	[tilespmem:$0x10080] =	vst v63  }
0x3b: {  	_ = 	snop  }
0x3c: {  	[tilespmem:s16], [sflag:$0x2] =	stream.indirect_vreg.gather [hbm4b:s6+s3], $0x80, v4, vm0, $0xb8;
	[tilespmem:$0x10080] =	vst v63  }
0x3d: {  	_ = 	snop  }
0x3e: {  	[tilespmem:s18], [sflag:$0x2] =	stream.indirect_vreg.gather [hbm4b:s2+s3], $0x80, v3, vm0, $0xb8;
	[tilespmem:$0x10080] =	vst v63  }
0x3f: {  	s8 =	simm.s32 $0x6880  }
0x40: {  	[tilespmem:s8], [sflag:$0x2] =	stream.indirect_vreg.gather [hbm4b:s4+s3], $0x80, v3, vm0, $0xb8;
	[tilespmem:$0x10080] =	vst v63  }
0x41: {  	s9 =	simm.s32 $0x7080  }
0x42: {  	[tilespmem:s9], [sflag:$0x2] =	stream.indirect_vreg.gather [hbm4b:s5+s3], $0x80, v3, vm0, $0xb8;
	[tilespmem:$0x10080] =	vst v63  }
0x43: {  	s10 =	simm.s32 $0x7880  }
0x44: {  	[tilespmem:s10], [sflag:$0x2] =	stream.indirect_vreg.gather [hbm4b:s6+s3], $0x80, v3, vm0, $0xb8;
	[tilespmem:$0x10080] =	vst v63  }
0x45: {  	v3 =	vld [tilespmem:$0x20];
	_ =	sdelay $0x4  }
0x46: {  	v58 =	vshll.u32 v3, $0x3  }
0x47: {  	v3 =	vand.u32 $0x7, v3;
	v4 =	vand.u32 $0xFFFFFFC0, v58  }
0x48: {  	v3 =	vor.u32 v3, v4  }
0x49: {  	v4 =	vperm.xlane v3, v0;
	_ =	sdelay $0x1  }
0x4a: {  	v4 =	vadd.s32 v1, v4;
	_ =	sdelay $0x4  }
0x4b: {  	[tilespmem:s19], [sflag:$0x3] =	stream.indirect_vreg.gather [hbm4b:s2+s3], $0x80, v4, vm0, $0xb8;
	[tilespmem:$0x10080] =	vst v63  }
0x4c: {  	s20 =	simm.s32 $0x8880;
	v3 =	vperm.xlane v3, v2  }
0x4d: {  	[tilespmem:s20], [sflag:$0x3] =	stream.indirect_vreg.gather [hbm4b:s4+s3], $0x80, v4, vm0, $0xb8;
	[tilespmem:$0x10080] =	vst v63  }
0x4e: {  	s29 =	simm.s32 $0x9080;
	v3 =	vadd.s32 v1, v3  }
0x4f: {  	[tilespmem:s29], [sflag:$0x3] =	stream.indirect_vreg.gather [hbm4b:s5+s3], $0x80, v4, vm0, $0xb8;
	[tilespmem:$0x10080] =	vst v63  }
0x50: {  	s29 =	simm.s32 $0x9880  }
0x51: {  	[tilespmem:s29], [sflag:$0x3] =	stream.indirect_vreg.gather [hbm4b:s6+s3], $0x80, v4, vm0, $0xb8;
	[tilespmem:$0x10080] =	vst v63  }
0x52: {  	_ = 	snop  }
0x53: {  	[tilespmem:s23], [sflag:$0x3] =	stream.indirect_vreg.gather [hbm4b:s2+s3], $0x80, v3, vm0, $0xb8;
	[tilespmem:$0x10080] =	vst v63  }
0x54: {  	_ = 	snop  }
0x55: {  	[tilespmem:s24], [sflag:$0x3] =	stream.indirect_vreg.gather [hbm4b:s4+s3], $0x80, v3, vm0, $0xb8;
	[tilespmem:$0x10080] =	vst v63  }
0x56: {  	_ = 	snop  }
0x57: {  	[tilespmem:s26], [sflag:$0x3] =	stream.indirect_vreg.gather [hbm4b:s5+s3], $0x80, v3, vm0, $0xb8;
	[tilespmem:$0x10080] =	vst v63  }
0x58: {  	s29 =	simm.s32 $0xB880  }
0x59: {  	[tilespmem:s29], [sflag:$0x3] =	stream.indirect_vreg.gather [hbm4b:s6+s3], $0x80, v3, vm0, $0xb8;
	[tilespmem:$0x10080] =	vst v63  }
0x5a: {  	v3 =	vld [tilespmem:$0x30];
	_ =	sdelay $0x4  }
0x5b: {  	v59 =	vshll.u32 v3, $0x3  }
0x5c: {  	v3 =	vand.u32 $0x7, v3;
	v4 =	vand.u32 $0xFFFFFFC0, v59  }
0x5d: {  	v3 =	vor.u32 v3, v4  }
0x5e: {  	v4 =	vperm.xlane v3, v0;
	_ =	sdelay $0x1  }
0x5f: {  	v4 =	vadd.s32 v1, v4;
	_ =	sdelay $0x4  }
0x60: {  	[tilespmem:s28], [sflag:$0x4] =	stream.indirect_vreg.gather [hbm4b:s2+s3], $0x80, v4, vm0, $0xb8;
	[tilespmem:$0x10080] =	vst v63  }
0x61: {  	s29 =	simm.s32 $0xC880;
	v3 =	vperm.xlane v3, v2  }
0x62: {  	[tilespmem:s29], [sflag:$0x4] =	stream.indirect_vreg.gather [hbm4b:s4+s3], $0x80, v4, vm0, $0xb8;
	[tilespmem:$0x10080] =	vst v63  }
0x63: {  	v3 =	vadd.s32 v1, v3;
	s29 =	simm.s32 $0xD080  }
0x64: {  	[tilespmem:s29], [sflag:$0x4] =	stream.indirect_vreg.gather [hbm4b:s5+s3], $0x80, v4, vm0, $0xb8;
	[tilespmem:$0x10080] =	vst v63  }
0x65: {  	s29 =	simm.s32 $0xD880  }
0x66: {  	[tilespmem:s29], [sflag:$0x4] =	stream.indirect_vreg.gather [hbm4b:s6+s3], $0x80, v4, vm0, $0xb8;
	[tilespmem:$0x10080] =	vst v63  }
0x67: {  	s29 =	simm.s32 $0xE080  }
0x68: {  	[tilespmem:s29], [sflag:$0x4] =	stream.indirect_vreg.gather [hbm4b:s2+s3], $0x80, v3, vm0, $0xb8;
	[tilespmem:$0x10080] =	vst v63  }
0x69: {  	s29 =	simm.s32 $0xE880  }
0x6a: {  	[tilespmem:s29], [sflag:$0x4] =	stream.indirect_vreg.gather [hbm4b:s4+s3], $0x80, v3, vm0, $0xb8;
	[tilespmem:$0x10080] =	vst v63  }
0x6b: {  	s29 =	simm.s32 $0xF080  }
0x6c: {  	[tilespmem:s29], [sflag:$0x4] =	stream.indirect_vreg.gather [hbm4b:s5+s3], $0x80, v3, vm0, $0xb8;
	[tilespmem:$0x10080] =	vst v63  }
0x6d: {  	s20 =	simm.s32 $0x1;
	s29 =	simm.s32 $0xF880  }
0x6e: {  	[tilespmem:s29], [sflag:$0x4] =	stream.indirect_vreg.gather [hbm4b:s6+s3], $0x80, v3, vm0, $0xb8;
	[tilespmem:$0x10080] =	vst v63  }
0x6f: {  	_ =	swait.ge [sflag:s20], $0x4000  }
0x70: {  	[sflag:s20] =	ssyncset.done $0x0  }
0x71: {  	s29 =	rddreg [dreg:$0x4];
	[sflag:s20] =	ssyncadd.s32 $0xFFFFC000  }
0x72: {  	[hbm4b:s29+s3] =	stream.linear.scatter [tilespmem:s17], [sflag:$0x5], $0x4000, $0x38;
	[tilespmem:$0x10080] =	vst v63  }
0x73: {  	_ =	swait.ge [sflag:s21], $0x4000  }
0x74: {  	[sflag:s21] =	ssyncset.done $0x0  }
0x75: {  	[sflag:s21] =	ssyncadd.s32 $0xFFFFC000  }
0x76: {  	v3 =	vld [tilespmem:$0x40];
	_ =	sdelay $0x4  }
0x77: {  	v60 =	vshll.u32 v3, $0x3  }
0x78: {  	v3 =	vand.u32 $0x7, v3;
	v4 =	vand.u32 $0xFFFFFFC0, v60  }
0x79: {  	v3 =	vor.u32 v3, v4  }
0x7a: {  	v4 =	vperm.xlane v3, v0;
	_ =	sdelay $0x1  }
0x7b: {  	v4 =	vadd.s32 v1, v4;
	_ =	sdelay $0x4  }
0x7c: {  	[tilespmem:s17], [sflag:$0x1] =	stream.indirect_vreg.gather [hbm4b:s2+s3], $0x80, v4, vm0, $0xb8;
	[tilespmem:$0x10080] =	vst v63  }
0x7d: {  	v3 =	vperm.xlane v3, v2  }
0x7e: {  	[tilespmem:s30], [sflag:$0x1] =	stream.indirect_vreg.gather [hbm4b:s4+s3], $0x80, v4, vm0, $0xb8;
	[tilespmem:$0x10080] =	vst v63  }
0x7f: {  	v3 =	vadd.s32 v1, v3  }
0x80: {  	[tilespmem:s31], [sflag:$0x1] =	stream.indirect_vreg.gather [hbm4b:s5+s3], $0x80, v4, vm0, $0xb8;
	[tilespmem:$0x10080] =	vst v63  }
0x81: {  	_ = 	snop  }
0x82: {  	[tilespmem:s1], [sflag:$0x1] =	stream.indirect_vreg.gather [hbm4b:s6+s3], $0x80, v4, vm0, $0xb8;
	[tilespmem:$0x10080] =	vst v63  }
0x83: {  	_ = 	snop  }
0x84: {  	[tilespmem:s0], [sflag:$0x1] =	stream.indirect_vreg.gather [hbm4b:s2+s3], $0x80, v3, vm0, $0xb8;
	[tilespmem:$0x10080] =	vst v63  }
0x85: {  	_ = 	snop  }
0x86: {  	[tilespmem:s11], [sflag:$0x1] =	stream.indirect_vreg.gather [hbm4b:s4+s3], $0x80, v3, vm0, $0xb8;
	[tilespmem:$0x10080] =	vst v63  }
0x87: {  	_ = 	snop  }
0x88: {  	[tilespmem:s12], [sflag:$0x1] =	stream.indirect_vreg.gather [hbm4b:s5+s3], $0x80, v3, vm0, $0xb8;
	[tilespmem:$0x10080] =	vst v63  }
0x89: {  	s0 =	simm.s32 $0x2  }
0x8a: {  	[tilespmem:s13], [sflag:$0x1] =	stream.indirect_vreg.gather [hbm4b:s6+s3], $0x80, v3, vm0, $0xb8;
	[tilespmem:$0x10080] =	vst v63  }
0x8b: {  	_ =	swait.ge [sflag:s0], $0x4000  }
0x8c: {  	[sflag:s0] =	ssyncset.done $0x0  }
0x8d: {  	s1 =	rddreg [dreg:$0x5];
	[sflag:s0] =	ssyncadd.s32 $0xFFFFC000  }
0x8e: {  	[hbm4b:s1+s3] =	stream.linear.scatter [tilespmem:s25], [sflag:$0x6], $0x4000, $0x38;
	[tilespmem:$0x10080] =	vst v63  }
0x8f: {  	s1 =	simm.s32 $0x6  }
0x90: {  	_ =	swait.ge [sflag:s1], $0x4000  }
0x91: {  	[sflag:s1] =	ssyncset.done $0x0  }
0x92: {  	[sflag:s1] =	ssyncadd.s32 $0xFFFFC000  }
0x93: {  	v3 =	vld [tilespmem:$0x50];
	_ =	sdelay $0x4  }
0x94: {  	v61 =	vshll.u32 v3, $0x3  }
0x95: {  	v3 =	vand.u32 $0x7, v3;
	v4 =	vand.u32 $0xFFFFFFC0, v61  }
0x96: {  	v3 =	vor.u32 v3, v4  }
0x97: {  	v4 =	vperm.xlane v3, v0;
	_ =	sdelay $0x1  }
0x98: {  	v4 =	vadd.s32 v1, v4;
	_ =	sdelay $0x4  }
0x99: {  	[tilespmem:s25], [sflag:$0x2] =	stream.indirect_vreg.gather [hbm4b:s2+s3], $0x80, v4, vm0, $0xb8;
	[tilespmem:$0x10080] =	vst v63  }
0x9a: {  	v3 =	vperm.xlane v3, v2  }
0x9b: {  	[tilespmem:s14], [sflag:$0x2] =	stream.indirect_vreg.gather [hbm4b:s4+s3], $0x80, v4, vm0, $0xb8;
	[tilespmem:$0x10080] =	vst v63  }
0x9c: {  	v3 =	vadd.s32 v1, v3  }
0x9d: {  	[tilespmem:s15], [sflag:$0x2] =	stream.indirect_vreg.gather [hbm4b:s5+s3], $0x80, v4, vm0, $0xb8;
	[tilespmem:$0x10080] =	vst v63  }
0x9e: {  	_ = 	snop  }
0x9f: {  	[tilespmem:s16], [sflag:$0x2] =	stream.indirect_vreg.gather [hbm4b:s6+s3], $0x80, v4, vm0, $0xb8;
	[tilespmem:$0x10080] =	vst v63  }
0xa0: {  	_ = 	snop  }
0xa1: {  	[tilespmem:s18], [sflag:$0x2] =	stream.indirect_vreg.gather [hbm4b:s2+s3], $0x80, v3, vm0, $0xb8;
	[tilespmem:$0x10080] =	vst v63  }
0xa2: {  	_ = 	snop  }
0xa3: {  	[tilespmem:s8], [sflag:$0x2] =	stream.indirect_vreg.gather [hbm4b:s4+s3], $0x80, v3, vm0, $0xb8;
	[tilespmem:$0x10080] =	vst v63  }
0xa4: {  	_ = 	snop  }
0xa5: {  	[tilespmem:s9], [sflag:$0x2] =	stream.indirect_vreg.gather [hbm4b:s5+s3], $0x80, v3, vm0, $0xb8;
	[tilespmem:$0x10080] =	vst v63  }
0xa6: {  	s8 =	simm.s32 $0x3  }
0xa7: {  	[tilespmem:s10], [sflag:$0x2] =	stream.indirect_vreg.gather [hbm4b:s6+s3], $0x80, v3, vm0, $0xb8;
	[tilespmem:$0x10080] =	vst v63  }
0xa8: {  	_ =	swait.ge [sflag:s8], $0x4000  }
0xa9: {  	[sflag:s8] =	ssyncset.done $0x0  }
0xaa: {  	s9 =	simm.s32 $0x7;
	s10 =	rddreg [dreg:$0x6];
	[sflag:s8] =	ssyncadd.s32 $0xFFFFC000  }
0xab: {  	[hbm4b:s10+s3] =	stream.linear.scatter [tilespmem:s19], [sflag:$0x7], $0x4000, $0x38;
	[tilespmem:$0x10080] =	vst v63  }
0xac: {  	_ =	swait.ge [sflag:s9], $0x4000  }
0xad: {  	[sflag:s9] =	ssyncset.done $0x0  }
0xae: {  	[sflag:s9] =	ssyncadd.s32 $0xFFFFC000  }
0xaf: {  	v3 =	vld [tilespmem:$0x60];
	_ =	sdelay $0x4  }
0xb0: {  	v62 =	vshll.u32 v3, $0x3  }
0xb1: {  	v3 =	vand.u32 $0x7, v3;
	v4 =	vand.u32 $0xFFFFFFC0, v62  }
0xb2: {  	v3 =	vor.u32 v3, v4  }
0xb3: {  	v4 =	vperm.xlane v3, v0;
	_ =	sdelay $0x1  }
0xb4: {  	v4 =	vadd.s32 v1, v4;
	_ =	sdelay $0x4  }
0xb5: {  	[tilespmem:s19], [sflag:$0x3] =	stream.indirect_vreg.gather [hbm4b:s2+s3], $0x80, v4, vm0, $0xb8;
	[tilespmem:$0x10080] =	vst v63  }
0xb6: {  	s11 =	simm.s32 $0x8880;
	v3 =	vperm.xlane v3, v2  }
0xb7: {  	[tilespmem:s11], [sflag:$0x3] =	stream.indirect_vreg.gather [hbm4b:s4+s3], $0x80, v4, vm0, $0xb8;
	[tilespmem:$0x10080] =	vst v63  }
0xb8: {  	s29 =	simm.s32 $0x9080;
	v3 =	vadd.s32 v1, v3  }
0xb9: {  	[tilespmem:s29], [sflag:$0x3] =	stream.indirect_vreg.gather [hbm4b:s5+s3], $0x80, v4, vm0, $0xb8;
	[tilespmem:$0x10080] =	vst v63  }
0xba: {  	s11 =	simm.s32 $0x9880  }
0xbb: {  	[tilespmem:s11], [sflag:$0x3] =	stream.indirect_vreg.gather [hbm4b:s6+s3], $0x80, v4, vm0, $0xb8;
	[tilespmem:$0x10080] =	vst v63  }
0xbc: {  	_ = 	snop  }
0xbd: {  	[tilespmem:s23], [sflag:$0x3] =	stream.indirect_vreg.gather [hbm4b:s2+s3], $0x80, v3, vm0, $0xb8;
	[tilespmem:$0x10080] =	vst v63  }
0xbe: {  	_ = 	snop  }
0xbf: {  	[tilespmem:s24], [sflag:$0x3] =	stream.indirect_vreg.gather [hbm4b:s4+s3], $0x80, v3, vm0, $0xb8;
	[tilespmem:$0x10080] =	vst v63  }
0xc0: {  	_ = 	snop  }
0xc1: {  	[tilespmem:s26], [sflag:$0x3] =	stream.indirect_vreg.gather [hbm4b:s5+s3], $0x80, v3, vm0, $0xb8;
	[tilespmem:$0x10080] =	vst v63  }
0xc2: {  	s10 =	simm.s32 $0x4;
	s29 =	simm.s32 $0xB880  }
0xc3: {  	[tilespmem:s29], [sflag:$0x3] =	stream.indirect_vreg.gather [hbm4b:s6+s3], $0x80, v3, vm0, $0xb8;
	[tilespmem:$0x10080] =	vst v63  }
0xc4: {  	_ =	swait.ge [sflag:s10], $0x4000  }
0xc5: {  	[sflag:s10] =	ssyncset.done $0x0  }
0xc6: {  	s11 =	rddreg [dreg:$0x7];
	[sflag:s10] =	ssyncadd.s32 $0xFFFFC000  }
0xc7: {  	[hbm4b:s11+s3] =	stream.linear.scatter [tilespmem:s28], [sflag:$0x8], $0x4000, $0x38;
	[tilespmem:$0x10080] =	vst v63  }
0xc8: {  	_ =	swait.ge [sflag:s22], $0x4000  }
0xc9: {  	[sflag:s22] =	ssyncset.done $0x0  }
0xca: {  	[sflag:s22] =	ssyncadd.s32 $0xFFFFC000  }
0xcb: {  	v3 =	vld [tilespmem:$0x70];
	_ =	sdelay $0x4  }
0xcc: {  	v63 =	vshll.u32 v3, $0x3  }
0xcd: {  	v3 =	vand.u32 $0x7, v3;
	v4 =	vand.u32 $0xFFFFFFC0, v63  }
0xce: {  	v3 =	vor.u32 v3, v4  }
0xcf: {  	v4 =	vperm.xlane v3, v0;
	_ =	sdelay $0x1  }
0xd0: {  	v4 =	vadd.s32 v1, v4;
	_ =	sdelay $0x4  }
0xd1: {  	[tilespmem:s28], [sflag:$0x4] =	stream.indirect_vreg.gather [hbm4b:s2+s3], $0x80, v4, vm0, $0xb8;
	[tilespmem:$0x10080] =	vst v63  }
0xd2: {  	s29 =	simm.s32 $0xC880;
	v3 =	vperm.xlane v3, v2  }
0xd3: {  	[tilespmem:s29], [sflag:$0x4] =	stream.indirect_vreg.gather [hbm4b:s4+s3], $0x80, v4, vm0, $0xb8;
	[tilespmem:$0x10080] =	vst v63  }
0xd4: {  	v3 =	vadd.s32 v1, v3;
	s29 =	simm.s32 $0xD080  }
0xd5: {  	[tilespmem:s29], [sflag:$0x4] =	stream.indirect_vreg.gather [hbm4b:s5+s3], $0x80, v4, vm0, $0xb8;
	[tilespmem:$0x10080] =	vst v63  }
0xd6: {  	s29 =	simm.s32 $0xD880  }
0xd7: {  	[tilespmem:s29], [sflag:$0x4] =	stream.indirect_vreg.gather [hbm4b:s6+s3], $0x80, v4, vm0, $0xb8;
	[tilespmem:$0x10080] =	vst v63  }
0xd8: {  	s29 =	simm.s32 $0xE080  }
0xd9: {  	[tilespmem:s29], [sflag:$0x4] =	stream.indirect_vreg.gather [hbm4b:s2+s3], $0x80, v3, vm0, $0xb8;
	[tilespmem:$0x10080] =	vst v63  }
0xda: {  	s29 =	simm.s32 $0xE880  }
0xdb: {  	[tilespmem:s29], [sflag:$0x4] =	stream.indirect_vreg.gather [hbm4b:s4+s3], $0x80, v3, vm0, $0xb8;
	[tilespmem:$0x10080] =	vst v63  }
0xdc: {  	s29 =	simm.s32 $0xF080  }
0xdd: {  	[tilespmem:s29], [sflag:$0x4] =	stream.indirect_vreg.gather [hbm4b:s5+s3], $0x80, v3, vm0, $0xb8;
	[tilespmem:$0x10080] =	vst v63  }
0xde: {  	s29 =	simm.s32 $0xF880  }
0xdf: {  	[tilespmem:s29], [sflag:$0x4] =	stream.indirect_vreg.gather [hbm4b:s6+s3], $0x80, v3, vm0, $0xb8;
	[tilespmem:$0x10080] =	vst v63  }
0xe0: {  	_ =	swait.ge [sflag:s20], $0x4000  }
0xe1: {  	[sflag:s20] =	ssyncset.done $0x0  }
0xe2: {  	s11 =	rddreg [dreg:$0x8];
	[sflag:s20] =	ssyncadd.s32 $0xFFFFC000  }
0xe3: {  	[hbm4b:s11+s3] =	stream.linear.scatter [tilespmem:s17], [sflag:$0x5], $0x4000, $0x38;
	[tilespmem:$0x10080] =	vst v63  }
0xe4: {  	_ =	swait.ge [sflag:s0], $0x4000  }
0xe5: {  	[sflag:s0] =	ssyncset.done $0x0  }
0xe6: {  	s20 =	rddreg [dreg:$0x9];
	[sflag:s0] =	ssyncadd.s32 $0xFFFFC000  }
0xe7: {  	[hbm4b:s20+s3] =	stream.linear.scatter [tilespmem:s25], [sflag:$0x6], $0x4000, $0x38;
	[tilespmem:$0x10080] =	vst v63  }
0xe8: {  	_ =	swait.ge [sflag:s8], $0x4000  }
0xe9: {  	[sflag:s8] =	ssyncset.done $0x0  }
0xea: {  	s11 =	rddreg [dreg:$0xa];
	[sflag:s8] =	ssyncadd.s32 $0xFFFFC000  }
0xeb: {  	[hbm4b:s11+s3] =	stream.linear.scatter [tilespmem:s19], [sflag:$0x7], $0x4000, $0x38;
	[tilespmem:$0x10080] =	vst v63  }
0xec: {  	_ =	swait.ge [sflag:s10], $0x4000  }
0xed: {  	[sflag:s10] =	ssyncset.done $0x0  }
0xee: {  	s20 =	rddreg [dreg:$0xb];
	[sflag:s10] =	ssyncadd.s32 $0xFFFFC000  }
0xef: {  	[hbm4b:s20+s3] =	stream.linear.scatter [tilespmem:s28], [sflag:$0x8], $0x4000, $0x38;
	[tilespmem:$0x10080] =	vst v63  }
0xf0: {  	_ =	swait.ge [sflag:s21], $0x4000  }
0xf1: {  	[sflag:s21] =	ssyncset.done $0x0  }
0xf2: {  	[sflag:s21] =	ssyncadd.s32 $0xFFFFC000  }
0xf3: {  	_ =	swait.ge [sflag:s1], $0x4000  }
0xf4: {  	[sflag:s1] =	ssyncset.done $0x0  }
0xf5: {  	[sflag:s1] =	ssyncadd.s32 $0xFFFFC000  }
0xf6: {  	p0 =	sne.s32 s7, $0x1;
	_ =	swait.ge [sflag:s9], $0x4000  }
.Ltmp0:
0xf7: {  	[sflag:s9] =	ssyncset.done $0x0;
	(pc) =	sbr.rel @p0 .LBB2_1-.Ltmp0, $4  }
0xf8: {  	[sflag:s9] =	ssyncadd.s32 $0xFFFFC000  }
0xf9: {  	_ =	swait.ge [sflag:s22], $0x4000  }
0xfa: {  	[sflag:s22] =	ssyncset.done $0x0  }
0xfb: {  	s7 =	sadd.s32 $0xFFFFFFFF, s7;
	[sflag:s22] =	ssyncadd.s32 $0xFFFFC000  }
0xfc: {  	_ =	sfence.sel $0x180000  }
0xfd: {  	[bflag:$0x0] =	sbarrier.arrive $0xFFFF  }
0xfe: {  	_ =	strace $0x9000004A  }
0xff: {  	s0 =	stileid.u32;
	[bflag:$0x2] =	sbarrier.arrive $0xFFFF  }
0x100: {  	p0 =	sne.s32 s0, $0x0;
	s0 =	rddreg [dreg:$0x2]  }
0x101: {  	s0 =	sadd.s32 @!p0 $0x100000, s0  }
0x102: {  	[sflag:s0] =	ssyncadd.tile.s32 @!p0 $0x1;
	_ =	shalt  }
.Lfunc_end2:
_tile_overlayer_lowered:
.L_overlay_start_2:
0x103: {  	(tag) =	ssettag $0x2  }
0x104: {  	s0 =	rddreg [dreg:$0x0];
	s2 =	stileid.u32  }
0x105: {  	s1 =	rddreg [dreg:$0x1];
	p0 =	sne.s32 s2, $0x0  }
0x106: {  	s3 =	rddreg [dreg:$0x2];
	[bflag:$0x3] =	sbarrier.arrive $0xFFFF;
	s2 =	simm.s32 @!p0 $0x1C09  }
0x107: {  	[timem:s3], [sflag:s2] =	dma.local @!p0 [hbm:s0], s1  }
0x108: {  	s0 =	simm.s32 @!p0 $0x9  }
0x109: {  	_ =	swait.ge @!p0 [sflag:s0], s1  }
0x10a: {  	s1 =	ssub.s32 @!p0 $0x0, s1;
	[sflag:s0] =	ssyncset.done @!p0 $0x0  }
0x10b: {  	[sflag:s0] =	ssyncadd.s32 @!p0 s1  }
0x10c: {  	[bflag:$0x3] =	sbarrier.arrive $0xFFFF  }
0x10d: {  	_ =	shalt  }

</sc_bundles>
